<compile_context>
chip_gen: v7x
topology: tpu7x:2x2x1
jax: 0.10.2.dev20260603
libtpu: 0.0.44.dev20260713+nightly
codegen_flags: <defaults>
</compile_context>

<pallas_src>
import functools

import jax
import jax.numpy as jnp
from jax import lax
from jax.experimental import pallas as pl
from jax.experimental.pallas import tpu as pltpu
from jax.experimental.pallas import tpu_sc as plsc

NUM_CORES = 2
NUM_SUBCORES = 16
NUM_WORKERS = NUM_CORES * NUM_SUBCORES
CHUNK = 16
NBUF = 4


@functools.partial(jax.jit, static_argnums=(0, 1, 2))
def _embedding_lookup(n, v, d, idx, table):
    n_per_w = n // NUM_WORKERS
    n_chunks = n_per_w // CHUNK
    n_iters = n_chunks // NBUF
    v_per_tile = v // NUM_SUBCORES
    stage_steps = v_per_tile // CHUNK
    mesh = plsc.VectorSubcoreMesh(core_axis_name="c", subcore_axis_name="s")

    @functools.partial(
        pl.kernel,
        out_type=jax.ShapeDtypeStruct((n, d), jnp.float32),
        mesh=mesh,
        scratch_types=[
            pltpu.VMEM_SHARED((v, d), jnp.float32),
            pltpu.VMEM((n_per_w,), jnp.int32),
            [pltpu.VMEM((CHUNK, d), jnp.float32)] * NBUF,
            [pltpu.SemaphoreType.DMA] * NBUF,
            [pltpu.SemaphoreType.DMA] * NBUF,
        ],
        compiler_params=pltpu.CompilerParams(use_tc_tiling_on_sc=False),
    )
    def lookup(idx_hbm, table_hbm, out_hbm, table_sh, idx_v, rows, g, s):
        sid = lax.axis_index("s")
        wid = sid * NUM_CORES + lax.axis_index("c")
        base = wid * n_per_w

        def stage(j, carry):
            r0 = sid * v_per_tile + j * CHUNK
            pltpu.sync_copy(table_hbm.at[pl.ds(r0, CHUNK)], rows[0])
            pltpu.sync_copy(rows[0], table_sh.at[pl.ds(r0, CHUNK)])
            return carry

        lax.fori_loop(0, stage_steps, stage, 0)
        plsc.subcore_barrier()

        pltpu.sync_copy(idx_hbm.at[pl.ds(base, n_per_w)], idx_v)

        def gather_desc(c, k):
            return pltpu.make_async_copy(
                table_sh.at[idx_v.at[pl.ds(c * CHUNK, CHUNK)]], rows[k], g[k]
            )

        def scatter_desc(c, k):
            return pltpu.make_async_copy(
                rows[k], out_hbm.at[pl.ds(base + c * CHUNK, CHUNK)], s[k]
            )

        for k in range(NBUF):
            gather_desc(k, k).start()

        def body(i, carry):
            c0 = i * NBUF
            for k in range(NBUF):
                gather_desc(c0 + k, k).wait()
                scatter_desc(c0 + k, k).start()
            for k in range(NBUF):
                scatter_desc(c0 + k, k).wait()
                gather_desc(c0 + NBUF + k, k).start()
            return carry

        lax.fori_loop(0, n_iters - 1, body, 0)

        c0 = (n_iters - 1) * NBUF
        for k in range(NBUF):
            gather_desc(c0 + k, k).wait()
            scatter_desc(c0 + k, k).start()
        for k in range(NBUF):
            scatter_desc(c0 + k, k).wait()

    return lookup(idx, table)


def kernel(x, token_embedding):
    b, l = x.shape
    v, d = token_embedding.shape
    v_pad = -(-v // 512) * 512
    table = jnp.pad(token_embedding, ((0, v_pad - v), (0, 0)))
    idx = x.reshape(b * l).astype(jnp.int32)
    out = _embedding_lookup(b * l, v_pad, d, idx, table)
    return out.reshape(b, l, d)

# --- scband reference (transcript-rebuilt; emitter-appended) ---
"""Pipeline reference for scband-bigram-language-model-12326556139848 (READ-ONLY COPY).

The authoritative reference and input builder live on the scoring server;
editing this copy changes nothing except your own understanding.
"""

import jax, jax.numpy as jnp
import numpy as np

VOCAB = 1000
B, L = 1024, 50

def setup_inputs(seed: int = 0) -> dict:
    key = jax.random.key(seed)
    k_idx, k_tab = jax.random.split(key)
    x = jax.random.randint(k_idx, (B, L), 0, VOCAB, dtype=jnp.int64 if jax.config.jax_enable_x64 else jnp.int32)
    token_embedding = jax.random.normal(k_tab, (VOCAB, VOCAB), dtype=jnp.float32)
    return {"x": x, "token_embedding": token_embedding}

def reference(x, token_embedding):
    # nn.Embedding lookup: logits[b, t, :] = table[x[b, t], :]
    return jnp.take(token_embedding, x, axis=0)

if __name__ == "__main__":
    import jax
    _d = setup_inputs()
    print(jax.jit(kernel)(*tuple(_d.values())))

</pallas_src>

<mosaic_0001>
#map = affine_map<(d0, d1) -> (0)>
#map1 = affine_map<(d0, d1) -> (0, 0)>
module attributes {stable_mosaic.version = 14 : i64} {
  func.func @lookup(%arg0: i32, %arg1: i32, %arg2: memref<51200xi32, #tpu.memory_space<hbm>>, %arg3: memref<1024x1000xf32, #tpu.memory_space<hbm>>, %arg4: memref<51200x1000xf32, #tpu.memory_space<hbm>>, %arg5: memref<1024x1000xf32, #tpu.memory_space<vmem_shared>>, %arg6: memref<1600xi32, #tpu.memory_space<vmem>>, %arg7: memref<16x1000xf32, #tpu.memory_space<vmem>>, %arg8: memref<16x1000xf32, #tpu.memory_space<vmem>>, %arg9: memref<16x1000xf32, #tpu.memory_space<vmem>>, %arg10: memref<16x1000xf32, #tpu.memory_space<vmem>>, %arg11: memref<!tpu.dma_semaphore, #tpu.memory_space<semaphore_mem>>, %arg12: memref<!tpu.dma_semaphore, #tpu.memory_space<semaphore_mem>>, %arg13: memref<!tpu.dma_semaphore, #tpu.memory_space<semaphore_mem>>, %arg14: memref<!tpu.dma_semaphore, #tpu.memory_space<semaphore_mem>>, %arg15: memref<!tpu.dma_semaphore, #tpu.memory_space<semaphore_mem>>, %arg16: memref<!tpu.dma_semaphore, #tpu.memory_space<semaphore_mem>>, %arg17: memref<!tpu.dma_semaphore, #tpu.memory_space<semaphore_mem>>, %arg18: memref<!tpu.dma_semaphore, #tpu.memory_space<semaphore_mem>>) attributes {dimension_semantics = [#tpu.dimension_semantics<core_parallel>, #tpu.dimension_semantics<subcore_parallel>], iteration_bounds = array<i64: 2, 16>, scalar_prefetch = 0 : i64, scratch_operands = 14 : i64, tpu.core_type = #tpu.core_type<sc_vector_subcore>, window_params = [{transform_indices = #map}, {transform_indices = #map1}, {transform_indices = #map1}]} {
    %mul3A = arith.constant 2 : i32
    %mul3A_0 = arith.muli %arg1, %mul3A : i32
    %add3A = arith.addi %mul3A_0, %arg0 : i32
    %mul3A_1 = arith.constant 1600 : i32
    %mul3A_2 = arith.muli %add3A, %mul3A_1 : i32
    %scan3A = arith.constant 0 : i32
    %scan3A_3 = arith.constant 0 : i32
    %scan3A_4 = arith.constant 4 : i32
    %scan3A_5 = arith.addi %scan3A_3, %scan3A_4 : i32
    %scan3A_6 = arith.constant 1 : i32
    scf.for %scan3A_100 = %scan3A_3 to %scan3A_5 step %scan3A_6  : i32 {
      %mul3A_101 = arith.constant 64 : i32
      %mul3A_102 = arith.muli %arg1, %mul3A_101 : i32
      %mul3A_103 = arith.constant 16 : i32
      %mul3A_104 = arith.muli %scan3A_100, %mul3A_103 : i32
      %add3A_105 = arith.addi %mul3A_102, %mul3A_104 : i32
      "tpu.region"() ({
        %run_scoped3A = tpu.sem_alloc : memref<!tpu.dma_semaphore, #tpu.memory_space<semaphore_mem>>
        %dma_start3A_106 = arith.constant 0 : i32
        %dma_start3A_107 = tpu.memref_slice %arg3[%add3A_105, %dma_start3A_106] : memref<1024x1000xf32, #tpu.memory_space<hbm>> -> memref<16x1000xf32, #tpu.memory_space<hbm>>
        %dma_start3A_108 = arith.constant 0 : i32
        %dma_start3A_109 = tpu.memref_slice %arg3[%add3A_105, %dma_start3A_108] : memref<1024x1000xf32, #tpu.memory_space<hbm>> -> memref<16x1000xf32, #tpu.memory_space<hbm>>
        tpu.enqueue_dma source(%dma_start3A_109 : memref<16x1000xf32, #tpu.memory_space<hbm>>) target(%arg7 : memref<16x1000xf32, #tpu.memory_space<vmem>>) target_semaphore(%run_scoped3A : memref<!tpu.dma_semaphore, #tpu.memory_space<semaphore_mem>>)
        %dma_wait3A_110 = arith.constant 0 : i32
        %dma_wait3A_111 = tpu.memref_slice %arg3[%add3A_105, %dma_wait3A_110] : memref<1024x1000xf32, #tpu.memory_space<hbm>> -> memref<16x1000xf32, #tpu.memory_space<hbm>>
        %dma_wait3A_112 = arith.constant 0 : i32
        %dma_wait3A_113 = tpu.memref_slice %arg3[%add3A_105, %dma_wait3A_112] : memref<1024x1000xf32, #tpu.memory_space<hbm>> -> memref<16x1000xf32, #tpu.memory_space<hbm>>
        tpu.wait_dma2 semaphore(%run_scoped3A : memref<!tpu.dma_semaphore, #tpu.memory_space<semaphore_mem>>) src(%dma_wait3A_113 : memref<16x1000xf32, #tpu.memory_space<hbm>>) dst(%arg7 : memref<16x1000xf32, #tpu.memory_space<vmem>>)
        tpu.yield
      }) : () -> ()
      "tpu.region"() ({
        %run_scoped3A = tpu.sem_alloc : memref<!tpu.dma_semaphore, #tpu.memory_space<semaphore_mem>>
        %dma_start3A_106 = arith.constant 0 : i32
        %dma_start3A_107 = tpu.memref_slice %arg5[%add3A_105, %dma_start3A_106] : memref<1024x1000xf32, #tpu.memory_space<vmem_shared>> -> memref<16x1000xf32, #tpu.memory_space<vmem_shared>>
        %dma_start3A_108 = arith.constant 0 : i32
        %dma_start3A_109 = tpu.memref_slice %arg5[%add3A_105, %dma_start3A_108] : memref<1024x1000xf32, #tpu.memory_space<vmem_shared>> -> memref<16x1000xf32, #tpu.memory_space<vmem_shared>>
        tpu.enqueue_dma source(%arg7 : memref<16x1000xf32, #tpu.memory_space<vmem>>) target(%dma_start3A_109 : memref<16x1000xf32, #tpu.memory_space<vmem_shared>>) target_semaphore(%run_scoped3A : memref<!tpu.dma_semaphore, #tpu.memory_space<semaphore_mem>>)
        %dma_wait3A_110 = arith.constant 0 : i32
        %dma_wait3A_111 = tpu.memref_slice %arg5[%add3A_105, %dma_wait3A_110] : memref<1024x1000xf32, #tpu.memory_space<vmem_shared>> -> memref<16x1000xf32, #tpu.memory_space<vmem_shared>>
        %dma_wait3A_112 = arith.constant 0 : i32
        %dma_wait3A_113 = tpu.memref_slice %arg5[%add3A_105, %dma_wait3A_112] : memref<1024x1000xf32, #tpu.memory_space<vmem_shared>> -> memref<16x1000xf32, #tpu.memory_space<vmem_shared>>
        tpu.wait_dma2 semaphore(%run_scoped3A : memref<!tpu.dma_semaphore, #tpu.memory_space<semaphore_mem>>) src(%arg7 : memref<16x1000xf32, #tpu.memory_space<vmem>>) dst(%dma_wait3A_113 : memref<16x1000xf32, #tpu.memory_space<vmem_shared>>)
        tpu.yield
      }) : () -> ()
    }
    %scan3A_7 = arith.constant 4 : i32
    %barrier3A = arith.constant 0 : index
    tpu.barrier barrier_id(%barrier3A)
    "tpu.region"() ({
      %run_scoped3A = tpu.sem_alloc : memref<!tpu.dma_semaphore, #tpu.memory_space<semaphore_mem>>
      %dma_start3A_100 = tpu.memref_slice %arg2[%mul3A_2] : memref<51200xi32, #tpu.memory_space<hbm>> -> memref<1600xi32, #tpu.memory_space<hbm>>
      %dma_start3A_101 = tpu.memref_slice %arg2[%mul3A_2] : memref<51200xi32, #tpu.memory_space<hbm>> -> memref<1600xi32, #tpu.memory_space<hbm>>
      tpu.enqueue_dma source(%dma_start3A_101 : memref<1600xi32, #tpu.memory_space<hbm>>) target(%arg6 : memref<1600xi32, #tpu.memory_space<vmem>>) target_semaphore(%run_scoped3A : memref<!tpu.dma_semaphore, #tpu.memory_space<semaphore_mem>>)
      %dma_wait3A_102 = tpu.memref_slice %arg2[%mul3A_2] : memref<51200xi32, #tpu.memory_space<hbm>> -> memref<1600xi32, #tpu.memory_space<hbm>>
      %dma_wait3A_103 = tpu.memref_slice %arg2[%mul3A_2] : memref<51200xi32, #tpu.memory_space<hbm>> -> memref<1600xi32, #tpu.memory_space<hbm>>
      tpu.wait_dma2 semaphore(%run_scoped3A : memref<!tpu.dma_semaphore, #tpu.memory_space<semaphore_mem>>) src(%dma_wait3A_103 : memref<1600xi32, #tpu.memory_space<hbm>>) dst(%arg6 : memref<1600xi32, #tpu.memory_space<vmem>>)
      tpu.yield
    }) : () -> ()
    %dma_start3A = arith.constant 0 : i32
    %dma_start3A_8 = tpu.memref_slice %arg6[%dma_start3A] : memref<1600xi32, #tpu.memory_space<vmem>> -> memref<16xi32, #tpu.memory_space<vmem>>
    %dma_start3A_9 = arith.constant 0 : i32
    %dma_start3A_10 = arith.constant 0 : i32
    %dma_start3A_11 = tpu.memref_slice %arg5[%dma_start3A_9, %dma_start3A_10] : memref<1024x1000xf32, #tpu.memory_space<vmem_shared>> -> memref<1024x1000xf32, #tpu.memory_space<vmem_shared>>
    tpu.enqueue_indirect_dma source(%dma_start3A_11 : memref<1024x1000xf32, #tpu.memory_space<vmem_shared>>) target(%arg7 : memref<16x1000xf32, #tpu.memory_space<vmem>>) offsets(%dma_start3A_8 : memref<16xi32, #tpu.memory_space<vmem>>) semaphore(%arg11 : memref<!tpu.dma_semaphore, #tpu.memory_space<semaphore_mem>>)
    %dma_start3A_12 = arith.constant 16 : i32
    %dma_start3A_13 = tpu.memref_slice %arg6[%dma_start3A_12] : memref<1600xi32, #tpu.memory_space<vmem>> -> memref<16xi32, #tpu.memory_space<vmem>>
    %dma_start3A_14 = arith.constant 0 : i32
    %dma_start3A_15 = arith.constant 0 : i32
    %dma_start3A_16 = tpu.memref_slice %arg5[%dma_start3A_14, %dma_start3A_15] : memref<1024x1000xf32, #tpu.memory_space<vmem_shared>> -> memref<1024x1000xf32, #tpu.memory_space<vmem_shared>>
    tpu.enqueue_indirect_dma source(%dma_start3A_16 : memref<1024x1000xf32, #tpu.memory_space<vmem_shared>>) target(%arg8 : memref<16x1000xf32, #tpu.memory_space<vmem>>) offsets(%dma_start3A_13 : memref<16xi32, #tpu.memory_space<vmem>>) semaphore(%arg12 : memref<!tpu.dma_semaphore, #tpu.memory_space<semaphore_mem>>)
    %dma_start3A_17 = arith.constant 32 : i32
    %dma_start3A_18 = tpu.memref_slice %arg6[%dma_start3A_17] : memref<1600xi32, #tpu.memory_space<vmem>> -> memref<16xi32, #tpu.memory_space<vmem>>
    %dma_start3A_19 = arith.constant 0 : i32
    %dma_start3A_20 = arith.constant 0 : i32
    %dma_start3A_21 = tpu.memref_slice %arg5[%dma_start3A_19, %dma_start3A_20] : memref<1024x1000xf32, #tpu.memory_space<vmem_shared>> -> memref<1024x1000xf32, #tpu.memory_space<vmem_shared>>
    tpu.enqueue_indirect_dma source(%dma_start3A_21 : memref<1024x1000xf32, #tpu.memory_space<vmem_shared>>) target(%arg9 : memref<16x1000xf32, #tpu.memory_space<vmem>>) offsets(%dma_start3A_18 : memref<16xi32, #tpu.memory_space<vmem>>) semaphore(%arg13 : memref<!tpu.dma_semaphore, #tpu.memory_space<semaphore_mem>>)
    %dma_start3A_22 = arith.constant 48 : i32
    %dma_start3A_23 = tpu.memref_slice %arg6[%dma_start3A_22] : memref<1600xi32, #tpu.memory_space<vmem>> -> memref<16xi32, #tpu.memory_space<vmem>>
    %dma_start3A_24 = arith.constant 0 : i32
    %dma_start3A_25 = arith.constant 0 : i32
    %dma_start3A_26 = tpu.memref_slice %arg5[%dma_start3A_24, %dma_start3A_25] : memref<1024x1000xf32, #tpu.memory_space<vmem_shared>> -> memref<1024x1000xf32, #tpu.memory_space<vmem_shared>>
    tpu.enqueue_indirect_dma source(%dma_start3A_26 : memref<1024x1000xf32, #tpu.memory_space<vmem_shared>>) target(%arg10 : memref<16x1000xf32, #tpu.memory_space<vmem>>) offsets(%dma_start3A_23 : memref<16xi32, #tpu.memory_space<vmem>>) semaphore(%arg14 : memref<!tpu.dma_semaphore, #tpu.memory_space<semaphore_mem>>)
    %scan3A_27 = arith.constant 0 : i32
    %scan3A_28 = arith.constant 0 : i32
    %scan3A_29 = arith.constant 24 : i32
    %scan3A_30 = arith.addi %scan3A_28, %scan3A_29 : i32
    %scan3A_31 = arith.constant 1 : i32
    scf.for %scan3A_100 = %scan3A_28 to %scan3A_30 step %scan3A_31  : i32 {
      %mul3A_101 = arith.constant 4 : i32
      %mul3A_102 = arith.muli %scan3A_100, %mul3A_101 : i32
      %add3A_103 = arith.constant 0 : i32
      %add3A_104 = arith.addi %mul3A_102, %add3A_103 : i32
      %mul3A_105 = arith.constant 16 : i32
      %mul3A_106 = arith.muli %add3A_104, %mul3A_105 : i32
      %dma_wait3A_107 = tpu.memref_slice %arg6[%mul3A_106] : memref<1600xi32, #tpu.memory_space<vmem>> -> memref<16xi32, #tpu.memory_space<vmem>>
      %dma_wait3A_108 = arith.constant 0 : i32
      %dma_wait3A_109 = arith.constant 0 : i32
      %dma_wait3A_110 = tpu.memref_slice %arg5[%dma_wait3A_108, %dma_wait3A_109] : memref<1024x1000xf32, #tpu.memory_space<vmem_shared>> -> memref<1024x1000xf32, #tpu.memory_space<vmem_shared>>
      tpu.wait_indirect_dma semaphore(%arg11 : memref<!tpu.dma_semaphore, #tpu.memory_space<semaphore_mem>>) src(%dma_wait3A_110 : memref<1024x1000xf32, #tpu.memory_space<vmem_shared>>) dst(%arg7 : memref<16x1000xf32, #tpu.memory_space<vmem>>)
      %add3A_111 = arith.constant 0 : i32
      %add3A_112 = arith.addi %mul3A_102, %add3A_111 : i32
      %mul3A_113 = arith.constant 16 : i32
      %mul3A_114 = arith.muli %add3A_112, %mul3A_113 : i32
      %add3A_115 = arith.addi %mul3A_2, %mul3A_114 : i32
      %dma_start3A_116 = arith.constant 0 : i32
      %dma_start3A_117 = tpu.memref_slice %arg4[%add3A_115, %dma_start3A_116] : memref<51200x1000xf32, #tpu.memory_space<hbm>> -> memref<16x1000xf32, #tpu.memory_space<hbm>>
      %dma_start3A_118 = arith.constant 0 : i32
      %dma_start3A_119 = tpu.memref_slice %arg4[%add3A_115, %dma_start3A_118] : memref<51200x1000xf32, #tpu.memory_space<hbm>> -> memref<16x1000xf32, #tpu.memory_space<hbm>>
      tpu.enqueue_dma source(%arg7 : memref<16x1000xf32, #tpu.memory_space<vmem>>) target(%dma_start3A_119 : memref<16x1000xf32, #tpu.memory_space<hbm>>) target_semaphore(%arg15 : memref<!tpu.dma_semaphore, #tpu.memory_space<semaphore_mem>>)
      %add3A_120 = arith.constant 1 : i32
      %add3A_121 = arith.addi %mul3A_102, %add3A_120 : i32
      %mul3A_122 = arith.constant 16 : i32
      %mul3A_123 = arith.muli %add3A_121, %mul3A_122 : i32
      %dma_wait3A_124 = tpu.memref_slice %arg6[%mul3A_123] : memref<1600xi32, #tpu.memory_space<vmem>> -> memref<16xi32, #tpu.memory_space<vmem>>
      %dma_wait3A_125 = arith.constant 0 : i32
      %dma_wait3A_126 = arith.constant 0 : i32
      %dma_wait3A_127 = tpu.memref_slice %arg5[%dma_wait3A_125, %dma_wait3A_126] : memref<1024x1000xf32, #tpu.memory_space<vmem_shared>> -> memref<1024x1000xf32, #tpu.memory_space<vmem_shared>>
      tpu.wait_indirect_dma semaphore(%arg12 : memref<!tpu.dma_semaphore, #tpu.memory_space<semaphore_mem>>) src(%dma_wait3A_127 : memref<1024x1000xf32, #tpu.memory_space<vmem_shared>>) dst(%arg8 : memref<16x1000xf32, #tpu.memory_space<vmem>>)
      %add3A_128 = arith.constant 1 : i32
      %add3A_129 = arith.addi %mul3A_102, %add3A_128 : i32
      %mul3A_130 = arith.constant 16 : i32
      %mul3A_131 = arith.muli %add3A_129, %mul3A_130 : i32
      %add3A_132 = arith.addi %mul3A_2, %mul3A_131 : i32
      %dma_start3A_133 = arith.constant 0 : i32
      %dma_start3A_134 = tpu.memref_slice %arg4[%add3A_132, %dma_start3A_133] : memref<51200x1000xf32, #tpu.memory_space<hbm>> -> memref<16x1000xf32, #tpu.memory_space<hbm>>
      %dma_start3A_135 = arith.constant 0 : i32
      %dma_start3A_136 = tpu.memref_slice %arg4[%add3A_132, %dma_start3A_135] : memref<51200x1000xf32, #tpu.memory_space<hbm>> -> memref<16x1000xf32, #tpu.memory_space<hbm>>
      tpu.enqueue_dma source(%arg8 : memref<16x1000xf32, #tpu.memory_space<vmem>>) target(%dma_start3A_136 : memref<16x1000xf32, #tpu.memory_space<hbm>>) target_semaphore(%arg16 : memref<!tpu.dma_semaphore, #tpu.memory_space<semaphore_mem>>)
      %add3A_137 = arith.constant 2 : i32
      %add3A_138 = arith.addi %mul3A_102, %add3A_137 : i32
      %mul3A_139 = arith.constant 16 : i32
      %mul3A_140 = arith.muli %add3A_138, %mul3A_139 : i32
      %dma_wait3A_141 = tpu.memref_slice %arg6[%mul3A_140] : memref<1600xi32, #tpu.memory_space<vmem>> -> memref<16xi32, #tpu.memory_space<vmem>>
      %dma_wait3A_142 = arith.constant 0 : i32
      %dma_wait3A_143 = arith.constant 0 : i32
      %dma_wait3A_144 = tpu.memref_slice %arg5[%dma_wait3A_142, %dma_wait3A_143] : memref<1024x1000xf32, #tpu.memory_space<vmem_shared>> -> memref<1024x1000xf32, #tpu.memory_space<vmem_shared>>
      tpu.wait_indirect_dma semaphore(%arg13 : memref<!tpu.dma_semaphore, #tpu.memory_space<semaphore_mem>>) src(%dma_wait3A_144 : memref<1024x1000xf32, #tpu.memory_space<vmem_shared>>) dst(%arg9 : memref<16x1000xf32, #tpu.memory_space<vmem>>)
      %add3A_145 = arith.constant 2 : i32
      %add3A_146 = arith.addi %mul3A_102, %add3A_145 : i32
      %mul3A_147 = arith.constant 16 : i32
      %mul3A_148 = arith.muli %add3A_146, %mul3A_147 : i32
      %add3A_149 = arith.addi %mul3A_2, %mul3A_148 : i32
      %dma_start3A_150 = arith.constant 0 : i32
      %dma_start3A_151 = tpu.memref_slice %arg4[%add3A_149, %dma_start3A_150] : memref<51200x1000xf32, #tpu.memory_space<hbm>> -> memref<16x1000xf32, #tpu.memory_space<hbm>>
      %dma_start3A_152 = arith.constant 0 : i32
      %dma_start3A_153 = tpu.memref_slice %arg4[%add3A_149, %dma_start3A_152] : memref<51200x1000xf32, #tpu.memory_space<hbm>> -> memref<16x1000xf32, #tpu.memory_space<hbm>>
      tpu.enqueue_dma source(%arg9 : memref<16x1000xf32, #tpu.memory_space<vmem>>) target(%dma_start3A_153 : memref<16x1000xf32, #tpu.memory_space<hbm>>) target_semaphore(%arg17 : memref<!tpu.dma_semaphore, #tpu.memory_space<semaphore_mem>>)
      %add3A_154 = arith.constant 3 : i32
      %add3A_155 = arith.addi %mul3A_102, %add3A_154 : i32
      %mul3A_156 = arith.constant 16 : i32
      %mul3A_157 = arith.muli %add3A_155, %mul3A_156 : i32
      %dma_wait3A_158 = tpu.memref_slice %arg6[%mul3A_157] : memref<1600xi32, #tpu.memory_space<vmem>> -> memref<16xi32, #tpu.memory_space<vmem>>
      %dma_wait3A_159 = arith.constant 0 : i32
      %dma_wait3A_160 = arith.constant 0 : i32
      %dma_wait3A_161 = tpu.memref_slice %arg5[%dma_wait3A_159, %dma_wait3A_160] : memref<1024x1000xf32, #tpu.memory_space<vmem_shared>> -> memref<1024x1000xf32, #tpu.memory_space<vmem_shared>>
      tpu.wait_indirect_dma semaphore(%arg14 : memref<!tpu.dma_semaphore, #tpu.memory_space<semaphore_mem>>) src(%dma_wait3A_161 : memref<1024x1000xf32, #tpu.memory_space<vmem_shared>>) dst(%arg10 : memref<16x1000xf32, #tpu.memory_space<vmem>>)
      %add3A_162 = arith.constant 3 : i32
      %add3A_163 = arith.addi %mul3A_102, %add3A_162 : i32
      %mul3A_164 = arith.constant 16 : i32
      %mul3A_165 = arith.muli %add3A_163, %mul3A_164 : i32
      %add3A_166 = arith.addi %mul3A_2, %mul3A_165 : i32
      %dma_start3A_167 = arith.constant 0 : i32
      %dma_start3A_168 = tpu.memref_slice %arg4[%add3A_166, %dma_start3A_167] : memref<51200x1000xf32, #tpu.memory_space<hbm>> -> memref<16x1000xf32, #tpu.memory_space<hbm>>
      %dma_start3A_169 = arith.constant 0 : i32
      %dma_start3A_170 = tpu.memref_slice %arg4[%add3A_166, %dma_start3A_169] : memref<51200x1000xf32, #tpu.memory_space<hbm>> -> memref<16x1000xf32, #tpu.memory_space<hbm>>
      tpu.enqueue_dma source(%arg10 : memref<16x1000xf32, #tpu.memory_space<vmem>>) target(%dma_start3A_170 : memref<16x1000xf32, #tpu.memory_space<hbm>>) target_semaphore(%arg18 : memref<!tpu.dma_semaphore, #tpu.memory_space<semaphore_mem>>)
      %add3A_171 = arith.constant 0 : i32
      %add3A_172 = arith.addi %mul3A_102, %add3A_171 : i32
      %mul3A_173 = arith.constant 16 : i32
      %mul3A_174 = arith.muli %add3A_172, %mul3A_173 : i32
      %add3A_175 = arith.addi %mul3A_2, %mul3A_174 : i32
      %dma_wait3A_176 = arith.constant 0 : i32
      %dma_wait3A_177 = tpu.memref_slice %arg4[%add3A_175, %dma_wait3A_176] : memref<51200x1000xf32, #tpu.memory_space<hbm>> -> memref<16x1000xf32, #tpu.memory_space<hbm>>
      %dma_wait3A_178 = arith.constant 0 : i32
      %dma_wait3A_179 = tpu.memref_slice %arg4[%add3A_175, %dma_wait3A_178] : memref<51200x1000xf32, #tpu.memory_space<hbm>> -> memref<16x1000xf32, #tpu.memory_space<hbm>>
      tpu.wait_dma2 semaphore(%arg15 : memref<!tpu.dma_semaphore, #tpu.memory_space<semaphore_mem>>) src(%arg7 : memref<16x1000xf32, #tpu.memory_space<vmem>>) dst(%dma_wait3A_179 : memref<16x1000xf32, #tpu.memory_space<hbm>>)
      %add3A_180 = arith.constant 4 : i32
      %add3A_181 = arith.addi %mul3A_102, %add3A_180 : i32
      %add3A_182 = arith.constant 0 : i32
      %add3A_183 = arith.addi %add3A_181, %add3A_182 : i32
      %mul3A_184 = arith.constant 16 : i32
      %mul3A_185 = arith.muli %add3A_183, %mul3A_184 : i32
      %dma_start3A_186 = tpu.memref_slice %arg6[%mul3A_185] : memref<1600xi32, #tpu.memory_space<vmem>> -> memref<16xi32, #tpu.memory_space<vmem>>
      %dma_start3A_187 = arith.constant 0 : i32
      %dma_start3A_188 = arith.constant 0 : i32
      %dma_start3A_189 = tpu.memref_slice %arg5[%dma_start3A_187, %dma_start3A_188] : memref<1024x1000xf32, #tpu.memory_space<vmem_shared>> -> memref<1024x1000xf32, #tpu.memory_space<vmem_shared>>
      tpu.enqueue_indirect_dma source(%dma_start3A_189 : memref<1024x1000xf32, #tpu.memory_space<vmem_shared>>) target(%arg7 : memref<16x1000xf32, #tpu.memory_space<vmem>>) offsets(%dma_start3A_186 : memref<16xi32, #tpu.memory_space<vmem>>) semaphore(%arg11 : memref<!tpu.dma_semaphore, #tpu.memory_space<semaphore_mem>>)
      %add3A_190 = arith.constant 1 : i32
      %add3A_191 = arith.addi %mul3A_102, %add3A_190 : i32
      %mul3A_192 = arith.constant 16 : i32
      %mul3A_193 = arith.muli %add3A_191, %mul3A_192 : i32
      %add3A_194 = arith.addi %mul3A_2, %mul3A_193 : i32
      %dma_wait3A_195 = arith.constant 0 : i32
      %dma_wait3A_196 = tpu.memref_slice %arg4[%add3A_194, %dma_wait3A_195] : memref<51200x1000xf32, #tpu.memory_space<hbm>> -> memref<16x1000xf32, #tpu.memory_space<hbm>>
      %dma_wait3A_197 = arith.constant 0 : i32
      %dma_wait3A_198 = tpu.memref_slice %arg4[%add3A_194, %dma_wait3A_197] : memref<51200x1000xf32, #tpu.memory_space<hbm>> -> memref<16x1000xf32, #tpu.memory_space<hbm>>
      tpu.wait_dma2 semaphore(%arg16 : memref<!tpu.dma_semaphore, #tpu.memory_space<semaphore_mem>>) src(%arg8 : memref<16x1000xf32, #tpu.memory_space<vmem>>) dst(%dma_wait3A_198 : memref<16x1000xf32, #tpu.memory_space<hbm>>)
      %add3A_199 = arith.constant 4 : i32
      %add3A_200 = arith.addi %mul3A_102, %add3A_199 : i32
      %add3A_201 = arith.constant 1 : i32
      %add3A_202 = arith.addi %add3A_200, %add3A_201 : i32
      %mul3A_203 = arith.constant 16 : i32
      %mul3A_204 = arith.muli %add3A_202, %mul3A_203 : i32
      %dma_start3A_205 = tpu.memref_slice %arg6[%mul3A_204] : memref<1600xi32, #tpu.memory_space<vmem>> -> memref<16xi32, #tpu.memory_space<vmem>>
      %dma_start3A_206 = arith.constant 0 : i32
      %dma_start3A_207 = arith.constant 0 : i32
      %dma_start3A_208 = tpu.memref_slice %arg5[%dma_start3A_206, %dma_start3A_207] : memref<1024x1000xf32, #tpu.memory_space<vmem_shared>> -> memref<1024x1000xf32, #tpu.memory_space<vmem_shared>>
      tpu.enqueue_indirect_dma source(%dma_start3A_208 : memref<1024x1000xf32, #tpu.memory_space<vmem_shared>>) target(%arg8 : memref<16x1000xf32, #tpu.memory_space<vmem>>) offsets(%dma_start3A_205 : memref<16xi32, #tpu.memory_space<vmem>>) semaphore(%arg12 : memref<!tpu.dma_semaphore, #tpu.memory_space<semaphore_mem>>)
      %add3A_209 = arith.constant 2 : i32
      %add3A_210 = arith.addi %mul3A_102, %add3A_209 : i32
      %mul3A_211 = arith.constant 16 : i32
      %mul3A_212 = arith.muli %add3A_210, %mul3A_211 : i32
      %add3A_213 = arith.addi %mul3A_2, %mul3A_212 : i32
      %dma_wait3A_214 = arith.constant 0 : i32
      %dma_wait3A_215 = tpu.memref_slice %arg4[%add3A_213, %dma_wait3A_214] : memref<51200x1000xf32, #tpu.memory_space<hbm>> -> memref<16x1000xf32, #tpu.memory_space<hbm>>
      %dma_wait3A_216 = arith.constant 0 : i32
      %dma_wait3A_217 = tpu.memref_slice %arg4[%add3A_213, %dma_wait3A_216] : memref<51200x1000xf32, #tpu.memory_space<hbm>> -> memref<16x1000xf32, #tpu.memory_space<hbm>>
      tpu.wait_dma2 semaphore(%arg17 : memref<!tpu.dma_semaphore, #tpu.memory_space<semaphore_mem>>) src(%arg9 : memref<16x1000xf32, #tpu.memory_space<vmem>>) dst(%dma_wait3A_217 : memref<16x1000xf32, #tpu.memory_space<hbm>>)
      %add3A_218 = arith.constant 4 : i32
      %add3A_219 = arith.addi %mul3A_102, %add3A_218 : i32
      %add3A_220 = arith.constant 2 : i32
      %add3A_221 = arith.addi %add3A_219, %add3A_220 : i32
      %mul3A_222 = arith.constant 16 : i32
      %mul3A_223 = arith.muli %add3A_221, %mul3A_222 : i32
      %dma_start3A_224 = tpu.memref_slice %arg6[%mul3A_223] : memref<1600xi32, #tpu.memory_space<vmem>> -> memref<16xi32, #tpu.memory_space<vmem>>
      %dma_start3A_225 = arith.constant 0 : i32
      %dma_start3A_226 = arith.constant 0 : i32
      %dma_start3A_227 = tpu.memref_slice %arg5[%dma_start3A_225, %dma_start3A_226] : memref<1024x1000xf32, #tpu.memory_space<vmem_shared>> -> memref<1024x1000xf32, #tpu.memory_space<vmem_shared>>
      tpu.enqueue_indirect_dma source(%dma_start3A_227 : memref<1024x1000xf32, #tpu.memory_space<vmem_shared>>) target(%arg9 : memref<16x1000xf32, #tpu.memory_space<vmem>>) offsets(%dma_start3A_224 : memref<16xi32, #tpu.memory_space<vmem>>) semaphore(%arg13 : memref<!tpu.dma_semaphore, #tpu.memory_space<semaphore_mem>>)
      %add3A_228 = arith.constant 3 : i32
      %add3A_229 = arith.addi %mul3A_102, %add3A_228 : i32
      %mul3A_230 = arith.constant 16 : i32
      %mul3A_231 = arith.muli %add3A_229, %mul3A_230 : i32
      %add3A_232 = arith.addi %mul3A_2, %mul3A_231 : i32
      %dma_wait3A_233 = arith.constant 0 : i32
      %dma_wait3A_234 = tpu.memref_slice %arg4[%add3A_232, %dma_wait3A_233] : memref<51200x1000xf32, #tpu.memory_space<hbm>> -> memref<16x1000xf32, #tpu.memory_space<hbm>>
      %dma_wait3A_235 = arith.constant 0 : i32
      %dma_wait3A_236 = tpu.memref_slice %arg4[%add3A_232, %dma_wait3A_235] : memref<51200x1000xf32, #tpu.memory_space<hbm>> -> memref<16x1000xf32, #tpu.memory_space<hbm>>
      tpu.wait_dma2 semaphore(%arg18 : memref<!tpu.dma_semaphore, #tpu.memory_space<semaphore_mem>>) src(%arg10 : memref<16x1000xf32, #tpu.memory_space<vmem>>) dst(%dma_wait3A_236 : memref<16x1000xf32, #tpu.memory_space<hbm>>)
      %add3A_237 = arith.constant 4 : i32
      %add3A_238 = arith.addi %mul3A_102, %add3A_237 : i32
      %add3A_239 = arith.constant 3 : i32
      %add3A_240 = arith.addi %add3A_238, %add3A_239 : i32
      %mul3A_241 = arith.constant 16 : i32
      %mul3A_242 = arith.muli %add3A_240, %mul3A_241 : i32
      %dma_start3A_243 = tpu.memref_slice %arg6[%mul3A_242] : memref<1600xi32, #tpu.memory_space<vmem>> -> memref<16xi32, #tpu.memory_space<vmem>>
      %dma_start3A_244 = arith.constant 0 : i32
      %dma_start3A_245 = arith.constant 0 : i32
      %dma_start3A_246 = tpu.memref_slice %arg5[%dma_start3A_244, %dma_start3A_245] : memref<1024x1000xf32, #tpu.memory_space<vmem_shared>> -> memref<1024x1000xf32, #tpu.memory_space<vmem_shared>>
      tpu.enqueue_indirect_dma source(%dma_start3A_246 : memref<1024x1000xf32, #tpu.memory_space<vmem_shared>>) target(%arg10 : memref<16x1000xf32, #tpu.memory_space<vmem>>) offsets(%dma_start3A_243 : memref<16xi32, #tpu.memory_space<vmem>>) semaphore(%arg14 : memref<!tpu.dma_semaphore, #tpu.memory_space<semaphore_mem>>)
    }
    %scan3A_32 = arith.constant 24 : i32
    %dma_wait3A = arith.constant 1536 : i32
    %dma_wait3A_33 = tpu.memref_slice %arg6[%dma_wait3A] : memref<1600xi32, #tpu.memory_space<vmem>> -> memref<16xi32, #tpu.memory_space<vmem>>
    %dma_wait3A_34 = arith.constant 0 : i32
    %dma_wait3A_35 = arith.constant 0 : i32
    %dma_wait3A_36 = tpu.memref_slice %arg5[%dma_wait3A_34, %dma_wait3A_35] : memref<1024x1000xf32, #tpu.memory_space<vmem_shared>> -> memref<1024x1000xf32, #tpu.memory_space<vmem_shared>>
    tpu.wait_indirect_dma semaphore(%arg11 : memref<!tpu.dma_semaphore, #tpu.memory_space<semaphore_mem>>) src(%dma_wait3A_36 : memref<1024x1000xf32, #tpu.memory_space<vmem_shared>>) dst(%arg7 : memref<16x1000xf32, #tpu.memory_space<vmem>>)
    %add3A_37 = arith.constant 1536 : i32
    %add3A_38 = arith.addi %mul3A_2, %add3A_37 : i32
    %dma_start3A_39 = arith.constant 0 : i32
    %dma_start3A_40 = tpu.memref_slice %arg4[%add3A_38, %dma_start3A_39] : memref<51200x1000xf32, #tpu.memory_space<hbm>> -> memref<16x1000xf32, #tpu.memory_space<hbm>>
    %dma_start3A_41 = arith.constant 0 : i32
    %dma_start3A_42 = tpu.memref_slice %arg4[%add3A_38, %dma_start3A_41] : memref<51200x1000xf32, #tpu.memory_space<hbm>> -> memref<16x1000xf32, #tpu.memory_space<hbm>>
    tpu.enqueue_dma source(%arg7 : memref<16x1000xf32, #tpu.memory_space<vmem>>) target(%dma_start3A_42 : memref<16x1000xf32, #tpu.memory_space<hbm>>) target_semaphore(%arg15 : memref<!tpu.dma_semaphore, #tpu.memory_space<semaphore_mem>>)
    %dma_wait3A_43 = arith.constant 1552 : i32
    %dma_wait3A_44 = tpu.memref_slice %arg6[%dma_wait3A_43] : memref<1600xi32, #tpu.memory_space<vmem>> -> memref<16xi32, #tpu.memory_space<vmem>>
    %dma_wait3A_45 = arith.constant 0 : i32
    %dma_wait3A_46 = arith.constant 0 : i32
    %dma_wait3A_47 = tpu.memref_slice %arg5[%dma_wait3A_45, %dma_wait3A_46] : memref<1024x1000xf32, #tpu.memory_space<vmem_shared>> -> memref<1024x1000xf32, #tpu.memory_space<vmem_shared>>
    tpu.wait_indirect_dma semaphore(%arg12 : memref<!tpu.dma_semaphore, #tpu.memory_space<semaphore_mem>>) src(%dma_wait3A_47 : memref<1024x1000xf32, #tpu.memory_space<vmem_shared>>) dst(%arg8 : memref<16x1000xf32, #tpu.memory_space<vmem>>)
    %add3A_48 = arith.constant 1552 : i32
    %add3A_49 = arith.addi %mul3A_2, %add3A_48 : i32
    %dma_start3A_50 = arith.constant 0 : i32
    %dma_start3A_51 = tpu.memref_slice %arg4[%add3A_49, %dma_start3A_50] : memref<51200x1000xf32, #tpu.memory_space<hbm>> -> memref<16x1000xf32, #tpu.memory_space<hbm>>
    %dma_start3A_52 = arith.constant 0 : i32
    %dma_start3A_53 = tpu.memref_slice %arg4[%add3A_49, %dma_start3A_52] : memref<51200x1000xf32, #tpu.memory_space<hbm>> -> memref<16x1000xf32, #tpu.memory_space<hbm>>
    tpu.enqueue_dma source(%arg8 : memref<16x1000xf32, #tpu.memory_space<vmem>>) target(%dma_start3A_53 : memref<16x1000xf32, #tpu.memory_space<hbm>>) target_semaphore(%arg16 : memref<!tpu.dma_semaphore, #tpu.memory_space<semaphore_mem>>)
    %dma_wait3A_54 = arith.constant 1568 : i32
    %dma_wait3A_55 = tpu.memref_slice %arg6[%dma_wait3A_54] : memref<1600xi32, #tpu.memory_space<vmem>> -> memref<16xi32, #tpu.memory_space<vmem>>
    %dma_wait3A_56 = arith.constant 0 : i32
    %dma_wait3A_57 = arith.constant 0 : i32
    %dma_wait3A_58 = tpu.memref_slice %arg5[%dma_wait3A_56, %dma_wait3A_57] : memref<1024x1000xf32, #tpu.memory_space<vmem_shared>> -> memref<1024x1000xf32, #tpu.memory_space<vmem_shared>>
    tpu.wait_indirect_dma semaphore(%arg13 : memref<!tpu.dma_semaphore, #tpu.memory_space<semaphore_mem>>) src(%dma_wait3A_58 : memref<1024x1000xf32, #tpu.memory_space<vmem_shared>>) dst(%arg9 : memref<16x1000xf32, #tpu.memory_space<vmem>>)
    %add3A_59 = arith.constant 1568 : i32
    %add3A_60 = arith.addi %mul3A_2, %add3A_59 : i32
    %dma_start3A_61 = arith.constant 0 : i32
    %dma_start3A_62 = tpu.memref_slice %arg4[%add3A_60, %dma_start3A_61] : memref<51200x1000xf32, #tpu.memory_space<hbm>> -> memref<16x1000xf32, #tpu.memory_space<hbm>>
    %dma_start3A_63 = arith.constant 0 : i32
    %dma_start3A_64 = tpu.memref_slice %arg4[%add3A_60, %dma_start3A_63] : memref<51200x1000xf32, #tpu.memory_space<hbm>> -> memref<16x1000xf32, #tpu.memory_space<hbm>>
    tpu.enqueue_dma source(%arg9 : memref<16x1000xf32, #tpu.memory_space<vmem>>) target(%dma_start3A_64 : memref<16x1000xf32, #tpu.memory_space<hbm>>) target_semaphore(%arg17 : memref<!tpu.dma_semaphore, #tpu.memory_space<semaphore_mem>>)
    %dma_wait3A_65 = arith.constant 1584 : i32
    %dma_wait3A_66 = tpu.memref_slice %arg6[%dma_wait3A_65] : memref<1600xi32, #tpu.memory_space<vmem>> -> memref<16xi32, #tpu.memory_space<vmem>>
    %dma_wait3A_67 = arith.constant 0 : i32
    %dma_wait3A_68 = arith.constant 0 : i32
    %dma_wait3A_69 = tpu.memref_slice %arg5[%dma_wait3A_67, %dma_wait3A_68] : memref<1024x1000xf32, #tpu.memory_space<vmem_shared>> -> memref<1024x1000xf32, #tpu.memory_space<vmem_shared>>
    tpu.wait_indirect_dma semaphore(%arg14 : memref<!tpu.dma_semaphore, #tpu.memory_space<semaphore_mem>>) src(%dma_wait3A_69 : memref<1024x1000xf32, #tpu.memory_space<vmem_shared>>) dst(%arg10 : memref<16x1000xf32, #tpu.memory_space<vmem>>)
    %add3A_70 = arith.constant 1584 : i32
    %add3A_71 = arith.addi %mul3A_2, %add3A_70 : i32
    %dma_start3A_72 = arith.constant 0 : i32
    %dma_start3A_73 = tpu.memref_slice %arg4[%add3A_71, %dma_start3A_72] : memref<51200x1000xf32, #tpu.memory_space<hbm>> -> memref<16x1000xf32, #tpu.memory_space<hbm>>
    %dma_start3A_74 = arith.constant 0 : i32
    %dma_start3A_75 = tpu.memref_slice %arg4[%add3A_71, %dma_start3A_74] : memref<51200x1000xf32, #tpu.memory_space<hbm>> -> memref<16x1000xf32, #tpu.memory_space<hbm>>
    tpu.enqueue_dma source(%arg10 : memref<16x1000xf32, #tpu.memory_space<vmem>>) target(%dma_start3A_75 : memref<16x1000xf32, #tpu.memory_space<hbm>>) target_semaphore(%arg18 : memref<!tpu.dma_semaphore, #tpu.memory_space<semaphore_mem>>)
    %add3A_76 = arith.constant 1536 : i32
    %add3A_77 = arith.addi %mul3A_2, %add3A_76 : i32
    %dma_wait3A_78 = arith.constant 0 : i32
    %dma_wait3A_79 = tpu.memref_slice %arg4[%add3A_77, %dma_wait3A_78] : memref<51200x1000xf32, #tpu.memory_space<hbm>> -> memref<16x1000xf32, #tpu.memory_space<hbm>>
    %dma_wait3A_80 = arith.constant 0 : i32
    %dma_wait3A_81 = tpu.memref_slice %arg4[%add3A_77, %dma_wait3A_80] : memref<51200x1000xf32, #tpu.memory_space<hbm>> -> memref<16x1000xf32, #tpu.memory_space<hbm>>
    tpu.wait_dma2 semaphore(%arg15 : memref<!tpu.dma_semaphore, #tpu.memory_space<semaphore_mem>>) src(%arg7 : memref<16x1000xf32, #tpu.memory_space<vmem>>) dst(%dma_wait3A_81 : memref<16x1000xf32, #tpu.memory_space<hbm>>)
    %add3A_82 = arith.constant 1552 : i32
    %add3A_83 = arith.addi %mul3A_2, %add3A_82 : i32
    %dma_wait3A_84 = arith.constant 0 : i32
    %dma_wait3A_85 = tpu.memref_slice %arg4[%add3A_83, %dma_wait3A_84] : memref<51200x1000xf32, #tpu.memory_space<hbm>> -> memref<16x1000xf32, #tpu.memory_space<hbm>>
    %dma_wait3A_86 = arith.constant 0 : i32
    %dma_wait3A_87 = tpu.memref_slice %arg4[%add3A_83, %dma_wait3A_86] : memref<51200x1000xf32, #tpu.memory_space<hbm>> -> memref<16x1000xf32, #tpu.memory_space<hbm>>
    tpu.wait_dma2 semaphore(%arg16 : memref<!tpu.dma_semaphore, #tpu.memory_space<semaphore_mem>>) src(%arg8 : memref<16x1000xf32, #tpu.memory_space<vmem>>) dst(%dma_wait3A_87 : memref<16x1000xf32, #tpu.memory_space<hbm>>)
    %add3A_88 = arith.constant 1568 : i32
    %add3A_89 = arith.addi %mul3A_2, %add3A_88 : i32
    %dma_wait3A_90 = arith.constant 0 : i32
    %dma_wait3A_91 = tpu.memref_slice %arg4[%add3A_89, %dma_wait3A_90] : memref<51200x1000xf32, #tpu.memory_space<hbm>> -> memref<16x1000xf32, #tpu.memory_space<hbm>>
    %dma_wait3A_92 = arith.constant 0 : i32
    %dma_wait3A_93 = tpu.memref_slice %arg4[%add3A_89, %dma_wait3A_92] : memref<51200x1000xf32, #tpu.memory_space<hbm>> -> memref<16x1000xf32, #tpu.memory_space<hbm>>
    tpu.wait_dma2 semaphore(%arg17 : memref<!tpu.dma_semaphore, #tpu.memory_space<semaphore_mem>>) src(%arg9 : memref<16x1000xf32, #tpu.memory_space<vmem>>) dst(%dma_wait3A_93 : memref<16x1000xf32, #tpu.memory_space<hbm>>)
    %add3A_94 = arith.constant 1584 : i32
    %add3A_95 = arith.addi %mul3A_2, %add3A_94 : i32
    %dma_wait3A_96 = arith.constant 0 : i32
    %dma_wait3A_97 = tpu.memref_slice %arg4[%add3A_95, %dma_wait3A_96] : memref<51200x1000xf32, #tpu.memory_space<hbm>> -> memref<16x1000xf32, #tpu.memory_space<hbm>>
    %dma_wait3A_98 = arith.constant 0 : i32
    %dma_wait3A_99 = tpu.memref_slice %arg4[%add3A_95, %dma_wait3A_98] : memref<51200x1000xf32, #tpu.memory_space<hbm>> -> memref<16x1000xf32, #tpu.memory_space<hbm>>
    tpu.wait_dma2 semaphore(%arg18 : memref<!tpu.dma_semaphore, #tpu.memory_space<semaphore_mem>>) src(%arg10 : memref<16x1000xf32, #tpu.memory_space<vmem>>) dst(%dma_wait3A_99 : memref<16x1000xf32, #tpu.memory_space<hbm>>)
    return
  }
}

</mosaic_0001>

<sc_bundles>
// kernel: _embedding_lookup.3.cloned.1.call-start
scs
__scs_entry_jumppad:
0x0: {  	(pc) =	sbr.rel $0x88, $3  }
0x1: {  	(tag) =	ssettag $0x0;
	lr =	simm.s32 $0x1  }
0x2: {  	[smem:$0x3F9F] =	sst lr;
	_ =	strace $0xD0000000  }
0x3: {  	_ = 	snop  }
0x4: {  	_ = 	snop  }
0x5: {  	_ = 	snop  }
0x6: {  	_ = 	snop  }
0x7: {  	_ = 	snop  }
__scs_overlays_trampoline_lowered:
0x8: {  	[smem:$0x3FAE] =	sst s0  }
0x9: {  	[smem:$0x3FAF] =	sst s1  }
0xa: {  	[smem:$0x3FB0] =	sst s2  }
0xb: {  	[smem:$0x3FB1] =	sst s3  }
0xc: {  	[smem:$0x3FB2] =	sst s4  }
0xd: {  	[smem:$0x3FB3] =	sst s5  }
0xe: {  	[smem:$0x3FB4] =	sst s6  }
0xf: {  	[smem:$0x3FB5] =	sst s7  }
0x10: {  	[smem:$0x3FB6] =	sst s8  }
0x11: {  	[smem:$0x3FB7] =	sst s9;
	s0 =	simm.s32 @!p0 $0x0  }
0x12: {  	s1 =	sld [smem:$0x3F9D];
	s0 =	simm.s32 @p0 $0x1  }
0x13: {  	[smem:$0x3FB8] =	sst s0;
	s0 =	simm.s32 @!p1 $0x0  }
0x14: {  	s2 =	sld [smem:$0x3F9C];
	s0 =	simm.s32 @p1 $0x1  }
0x15: {  	[smem:$0x3FB9] =	sst s0;
	s0 =	simm.s32 @!p2 $0x0  }
0x16: {  	s3 =	sld [smem:$0x3FDB];
	s0 =	simm.s32 @p2 $0x1  }
0x17: {  	s4 =	simm.s32 $0x1BF5;
	[smem:$0x3FBB] =	sst s0  }
0x18: {  	s0 =	sld [smem:$0x3F9E];
	_ =	swait.ge [sflag:s4], $0x0  }
0x19: {  	s7 =	sld [smem:$0x3F9F]  }
0x1a: {  	s8 =	sadd.s32 $0xFFFFE003, lr  }
0x1b: {  	s9 =	sadd.s32 $0xFFFFFEF7, lr;
	s5 =	simm.s32 $0xFFFFFFFF;
	p2 =	slt.u32 s8, $0xFFFFF086  }
0x1c: {  	p1 =	slt.u32 s9, $0xF7A;
	s5 =	simm.s32 @!p2 $0x0  }
0x1d: {  	s5 =	simm.s32 @p1 $0x1;
	p0 =	seq.s32 s7, s2  }
0x1e: {  	s7 =	smul.u32 @!p0 $0xF7A, s2;
	p2 =	seq.s32 @!p0 s5, $0x0  }
0x1f: {  	s9 =	smul.u32 $0xF7A, s1;
	s8 =	simm.s32 @!p0 $0x1BF5;
	p2 =	por !p2, p0  }
0x20: {  	[sflag:s8] =	ssyncset.s32 @!p0 $0xFFFFF086;
	s6 =	sadd.s32 @!p0 s3, s7;
	s7 =	simm.s32 @!p0 $0x108  }
0x21: {  	s3 =	sadd.s32 s3, s9;
	s6 =	sadd.s32 @!p0 $0x88, s6;
	s7 =	simm.s32 @p2 $0x1082  }
0x22: {  	[simem:s7], [sflag:s8] =	dma.local @!p0 [hbm:s6], $0xF7A  }
0x23: {  	s9 =	sor.u32 $0xD0000000, s2;
	s6 =	simm.s32 $0x108;
	_ =	swait.ge @!p0 [sflag:s8], $0x0  }
0x24: {  	s3 =	sadd.s32 $0x88, s3;
	s6 =	simm.s32 @!p1 $0x1082;
	[sflag:s4] =	ssyncset.s32 $0xFFFFF086  }
0x25: {  	[simem:s6], [sflag:s4] =	dma.local [hbm:s3], $0xF7A  }
0x26: {  	[smem:$0x3F9F] =	sst s1;
	(tag) =	ssettag s2;
	_ =	strace s9  }
0x27: {  	s1 =	sld [smem:$0x3FAF]  }
0x28: {  	s2 =	sld [smem:$0x3FB0]  }
0x29: {  	s4 =	sld [smem:$0x3FB2]  }
0x2a: {  	p0 =	seq.s32 s5, $0x0;
	s5 =	sld [smem:$0x3FB3]  }
0x2b: {  	s6 =	sld [smem:$0x3FB4]  }
0x2c: {  	s7 =	sld [smem:$0x3FB5]  }
0x2d: {  	s3 =	simm.s32 $0x108;
	s8 =	sld [smem:$0x3FB6]  }
0x2e: {  	s3 =	simm.s32 @!p0 $0x1082;
	s9 =	sld [smem:$0x3FB7]  }
0x2f: {  	lr =	sadd.s32 s0, s3;
	s0 =	sld [smem:$0x3FAE]  }
0x30: {  	s3 =	sld [smem:$0x3FB1]  }
0x31: {  	[smem:$0x3FBA] =	sst s10  }
0x32: {  	s10 =	sld [smem:$0x3FB8];
	_ =	sdelay $0x3  }
0x33: {  	p0 =	seq.s32 s10, $0x1;
	s10 =	sld [smem:$0x3FBA];
	_ =	sdelay $0x3  }
0x34: {  	[smem:$0x3FBA] =	sst s10  }
0x35: {  	s10 =	sld [smem:$0x3FB9];
	_ =	sdelay $0x3  }
0x36: {  	p1 =	seq.s32 s10, $0x1;
	s10 =	sld [smem:$0x3FBA];
	_ =	sdelay $0x3  }
0x37: {  	[smem:$0x3FBA] =	sst s10  }
0x38: {  	s10 =	sld [smem:$0x3FBB]  }
0x39: {  	_ = 	snop;
	(pc) =	sbr.ind lr, $3  }
0x3a: {  	_ = 	snop  }
0x3b: {  	_ = 	snop  }
0x3c: {  	p2 =	seq.s32 s10, $0x1;
	s10 =	sld [smem:$0x3FBA]  }
0x3d: {  	_ =	shalt  }
0x3e: {  	_ =	shalt  }
0x3f: {  	_ =	shalt  }
0x40: {  	_ =	shalt  }
0x41: {  	_ =	shalt  }
0x42: {  	_ =	shalt  }
0x43: {  	_ =	shalt  }
0x44: {  	_ =	shalt  }
0x45: {  	_ =	shalt  }
0x46: {  	_ =	shalt  }
0x47: {  	_ =	shalt  }
0x48: {  	_ =	shalt  }
0x49: {  	_ =	shalt  }
0x4a: {  	_ =	shalt  }
0x4b: {  	_ =	shalt  }
0x4c: {  	_ =	shalt  }
0x4d: {  	_ =	shalt  }
0x4e: {  	_ =	shalt  }
0x4f: {  	_ =	shalt  }
0x50: {  	_ =	shalt  }
0x51: {  	_ =	shalt  }
0x52: {  	_ =	shalt  }
0x53: {  	_ =	shalt  }
0x54: {  	_ =	shalt  }
0x55: {  	_ =	shalt  }
0x56: {  	_ =	shalt  }
0x57: {  	_ =	shalt  }
0x58: {  	_ =	shalt  }
0x59: {  	_ =	shalt  }
0x5a: {  	_ =	shalt  }
0x5b: {  	_ =	shalt  }
0x5c: {  	_ =	shalt  }
0x5d: {  	_ =	shalt  }
0x5e: {  	_ =	shalt  }
0x5f: {  	_ =	shalt  }
0x60: {  	_ =	shalt  }
0x61: {  	_ =	shalt  }
0x62: {  	_ =	shalt  }
0x63: {  	_ =	shalt  }
0x64: {  	_ =	shalt  }
0x65: {  	_ =	shalt  }
0x66: {  	_ =	shalt  }
0x67: {  	_ =	shalt  }
0x68: {  	_ =	shalt  }
0x69: {  	_ =	shalt  }
0x6a: {  	_ =	shalt  }
0x6b: {  	_ =	shalt  }
0x6c: {  	_ =	shalt  }
0x6d: {  	_ =	shalt  }
0x6e: {  	_ =	shalt  }
0x6f: {  	_ =	shalt  }
0x70: {  	_ =	shalt  }
0x71: {  	_ =	shalt  }
0x72: {  	_ =	shalt  }
0x73: {  	_ =	shalt  }
0x74: {  	_ =	shalt  }
0x75: {  	_ =	shalt  }
0x76: {  	_ =	shalt  }
0x77: {  	_ =	shalt  }
0x78: {  	_ =	shalt  }
0x79: {  	_ =	shalt  }
0x7a: {  	_ =	shalt  }
0x7b: {  	_ =	shalt  }
0x7c: {  	_ =	shalt  }
0x7d: {  	_ =	shalt  }
0x7e: {  	_ =	shalt  }
0x7f: {  	_ =	shalt  }
0x80: {  	_ =	shalt  }
0x81: {  	_ =	shalt  }
0x82: {  	_ =	shalt  }
0x83: {  	_ =	shalt  }
0x84: {  	_ =	shalt  }
0x85: {  	_ =	shalt  }
0x86: {  	_ =	shalt  }
0x87: {  	_ =	shalt  }
.Lfunc_end0:
.L_simem_size_0:
called_computation.1_lowered:
.L_overlay_start_0:
0x88: {  	s2 =	sld [smem:$0x3FD9]  }
0x89: {  	s3 =	sld [smem:$0x3FFE];
	_ =	sdelay $0x1  }
0x8a: {  	s1 =	srdreg.scid  }
0x8b: {  	s0 =	sand.u32 $0x1, s1  }
0x8c: {  	s17 =	sshll.u32 s0, $0xA;
	s2 =	sadd.s32 s3, s2  }
0x8d: {  	s2 =	sadd.s32 s2, s17  }
0x8e: {  	[smem:$0x3FC6] =	sst s2  }
0x8f: {  	_ = 	snop  }
0x90: {  	s2 =	sld [smem:$0x3FC9]  }
0x91: {  	s18 =	sld [smem:$0x3FD0];
	(tm) =	ssettm $0x1  }
0x92: {  	s4 =	sld [smem:$0x3FFB];
	_ =	sdelay $0x3  }
0x93: {  	_ =	strace s4  }
0x94: {  	s4 =	sld [smem:$0x3FFC];
	_ =	sdelay $0x3  }
0x95: {  	_ =	strace s4  }
0x96: {  	s4 =	sld [smem:$0x3FFD];
	_ =	sdelay $0x3  }
0x97: {  	_ =	strace s4  }
0x98: {  	_ =	strace $0x8FFFFFFF  }
0x99: {  	s19 =	sld [smem:$0x3FDB];
	_ =	sdelay $0x1  }
0x9a: {  	s5 =	simm.s32 $_scs_section_size  }
0x9b: {  	s6 =	simm.s32 $_size__tile_overlayer_lowered;
	s7 =	simm.s32 $_tile_overlayer_lowered  }
0x9c: {  	s22 =	simm.s32 $0x1BFF;
	s21 =	sshll.u32 s7, $0x1;
	s4 =	sadd.s32 s5, s19  }
0x9d: {  	s8 =	simm.s32 $0x0;
	s20 =	sshll.u32 s6, $0x1;
	s6 =	sadd.s32 s21, s4  }
0x9e: {  	[timem:s8], [sflag:s22] =	dma.local [hbm:s6], s20  }
0x9f: {  	_ =	swait.ge [sflag:s22], s20  }
0xa0: {  	s5 =	ssub.s32 $0x0, s20;
	[sflag:s22] =	ssyncset.done $0x0  }
0xa1: {  	[sflag:s22] =	ssyncadd.s32 s5;
	_ =	sdelay $0x1  }
0xa2: {  	s23 =	simm.s32 $0x1B8B  }
0xa3: {  	_ =	swait.ge [sflag:s23], $0x1  }
0xa4: {  	[sflag:s23] =	ssyncset.done $0x0  }
0xa5: {  	s25 =	simm.s32 $0x1B8E;
	s24 =	sld [smem:$0x3FFE];
	[sflag:s23] =	ssyncadd.s32 $0xFFFFFFFF  }
0xa6: {  	s26 =	simm.s32 $execute0_lowered;
	[smem:$0x3FD2] =	sst s25  }
0xa7: {  	s6 =	sshll.u32 s26, $0x1;
	_ =	strace $0x80000046;
	[dreg:$0x1] =	wrdreg $0xFFFFFFFF  }
0xa8: {  	s28 =	simm.s32 $_size_execute0_lowered;
	s4 =	sadd.s32 s4, s6;
	[dreg:$0x0] =	wrdreg $0x0  }
0xa9: {  	s6 =	sshll.u32 s28, $0x1;
	[dreg:$0x2] =	wrdreg s4  }
0xaa: {  	[dreg:$0x3] =	wrdreg s6  }
0xab: {  	[dreg:$0x4] =	wrdreg $0xC0  }
0xac: {  	_ =	task [dreg:s8], $0x5FFFF  }
0xad: {  	[dreg:$0x1] =	wrdreg $0xFFFFFFFF  }
0xae: {  	[dreg:$0x0] =	wrdreg $0x60  }
0xaf: {  	[dreg:$0x2] =	wrdreg s2  }
0xb0: {  	[dreg:$0x3] =	wrdreg s24  }
0xb1: {  	[dreg:$0x4] =	wrdreg s18  }
0xb2: {  	[dreg:$0x5] =	wrdreg $0x0  }
0xb3: {  	[dreg:$0x6] =	wrdreg $0x9  }
0xb4: {  	_ =	task.clear_ibuf [dreg:s8], $0x7FFFF;
	_ =	strace $0x90000046  }
0xb5: {  	s29 =	simm.s32 $0x9;
	_ =	strace $0x80000048  }
0xb6: {  	_ =	swait.ge [sflag:s29], $0x1  }
0xb7: {  	[sflag:s29] =	ssyncadd.s32 $0xFFFFFFFF  }
0xb8: {  	_ =	strace $0x90000048  }
0xb9: {  	_ =	sfence  }
0xba: {  	s30 =	sld [smem:$0x0];
	_ =	sdelay $0x2  }
0xbb: {  	s31 =	sshll.u32 s1, $0xD;
	s1 =	sshrl.u32 s1, $0x2  }
0xbc: {  	s3 =	sand.u32 $0x4000, s31;
	s1 =	sadd.s32 s1, s30  }
0xbd: {  	s0 =	sor.u32 s3, s0;
	s1 =	sshll.u32 s1, $0x11  }
0xbe: {  	s0 =	sor.u32 s1, s0  }
0xbf: {  	s0 =	sadd.s32 $0x8F2B, s0  }
0xc0: {  	[sflag:s0] =	ssyncadd.remote.s32 $0x1  }
0xc1: {  	_ =	sfence.sel $0xFFFF  }
0xc2: {  	[dreg:$0x0] =	wrdreg $0xFFFFFFFF;
	(pc) =	sbr.abs _section_cstart, $3  }
0xc3: {  	[dreg:$0x1] =	wrdreg $0xFFFFFFFF  }
0xc4: {  	_ =	task.clear_ibuf [dreg:s8], $0x2FFFF;
	_ =	strace $0x9FFFFFFF  }
0xc5: {  	(tm) =	ssettm $0x7FFFFFFF  }
tec
execute0_lowered:
.L_overlay_start_1:
0x0: {  	(tag) =	ssettag $0x1  }
0x1: {  	s0 =	rddreg [dreg:$0x0]  }
0x2: {  	s1 =	rddreg [dreg:$0x1]  }
0x3: {  	s4 =	rddreg [dreg:$0x2];
	s3 =	srdreg.scid  }
0x4: {  	s15 =	stileid.u32;
	s2 =	rddreg [dreg:$0x3];
	s29 =	simm.s32 $0x1BBC0  }
0x5: {  	s30 =	simm.s32 $0x1;
	s31 =	simm.s32 $0x2;
	s5 =	sand.u32 $0x1, s3  }
0x6: {  	s6 =	sshll.u32 s15, $0x1;
	s3 =	simm.s32 $0x0;
	s14 =	smul.u32 $0xFA00, s15  }
0x7: {  	s1 =	sadd.s32 $0x800, s1;
	s22 =	smul.u32 $0x61A80, s15;
	s6 =	sor.u32 s5, s6  }
0x8: {  	[smem:$0x7FF] =	sst s3;
	s7 =	ssub.s32 $0x2, s5;
	s5 =	smul.u32 $0x30D40, s5  }
0x9: {  	s28 =	simm.s32 $0x7;
	s8 =	smul.u32 $0x186A00, s6;
	_ =	strace $0x80000047  }
0xa: {  	s9 =	sshrl.u32 s7, $0x1;
	s6 =	smul.u32 $0x640, s6;
	s17 =	sadd.s32 $0x3E80, s14  }
0xb: {  	s19 =	sshrl.u32 s14, $0x3;
	s21 =	sadd.s32 $0x7D00, s14;
	s24 =	sadd.s32 $0xBB80, s14  }
0xc: {  	s7 =	ssub.s32 s7, s9;
	s20 =	sshrl.u32 s17, $0x3;
	s10 =	sadd.s32 s1, s19  }
0xd: {  	s23 =	sshrl.u32 s21, $0x3;
	s25 =	sshrl.u32 s24, $0x3;
	s15 =	sadd.s32 s21, s2  }
0xe: {  	s19 =	simm.s32 $0x10040;
	s21 =	simm.s32 $0xFA00;
	s8 =	sshrl.u32 s8, $0x3  }
0xf: {  	s6 =	sshrl.u32 s6, $0x3;
	s18 =	smax.u32 s7, $0x1;
	s8 =	sadd.s32 s4, s8  }
0x10: {  	s0 =	sadd.s32 s0, s6;
	[dreg:$0xa] =	wrdreg s18;
	s4 =	sadd.s32 s22, s4  }
0x11: {  	s22 =	simm.s32 $0x10;
	[dreg:$0x5] =	wrdreg s0;
	s11 =	sadd.s32 $0x2EE00, s8  }
0x12: {  	s12 =	sadd.s32 $0x2F5D0, s8;
	s13 =	sadd.s32 $0x2FDA0, s8;
	[dreg:$0x6] =	wrdreg s11  }
0x13: {  	s16 =	sadd.s32 $0x30570, s8;
	s26 =	sadd.s32 s5, s4;
	[dreg:$0x7] =	wrdreg s12  }
0x14: {  	s0 =	simm.s32 $0x4;
	s4 =	simm.s32 $0x8;
	[dreg:$0x8] =	wrdreg s13  }
0x15: {  	s5 =	simm.s32 $0x0;
	[dreg:$0x9] =	wrdreg s16;
	s11 =	sadd.s32 s14, s2  }
0x16: {  	s12 =	sadd.s32 s1, s20;
	s13 =	sadd.s32 s17, s2;
	s14 =	sadd.s32 s1, s23  }
0x17: {  	s16 =	sadd.s32 s1, s25;
	s17 =	sadd.s32 s24, s2;
	s18 =	sadd.s32 $0x1770, s26  }
0x18: {  	s20 =	simm.s32 $0x9;
	s24 =	simm.s32 $0x13EC0;
	s26 =	simm.s32 $0x17D40  }
0x19: {  	s1 =	simm.s32 $0x3;
	s23 =	simm.s32 $0x5;
	s25 =	simm.s32 $0x6  }
.LBB2_1:
0x1a: {  	[tilespmem:s19], [sflag:$0x9] =	stream.linear.gather [hbm4b:s10+s3], $0x3E80, $0x38;
	[tilespmem:$0x1FA40] =	vst v63  }
0x1b: {  	_ =	swait.ge [sflag:s20], $0x3E80  }
0x1c: {  	[sflag:s20] =	ssyncset.done $0x0  }
0x1d: {  	[sflag:s20] =	ssyncadd.s32 $0xFFFFC180  }
0x1e: {  	[spmem:s11] =	stream.linear.scatter [tilespmem:s19], [sflag:$0x9], $0x3E80, $0x38;
	[tilespmem:$0x1FA40] =	vst v63  }
0x1f: {  	_ =	swait.ge [sflag:s20], $0x3E80  }
0x20: {  	[sflag:s20] =	ssyncset.done $0x0  }
0x21: {  	[sflag:s20] =	ssyncadd.s32 $0xFFFFC180  }
0x22: {  	[tilespmem:s19], [sflag:$0x9] =	stream.linear.gather [hbm4b:s12+s3], $0x3E80, $0x38;
	[tilespmem:$0x1FA40] =	vst v63  }
0x23: {  	_ =	swait.ge [sflag:s20], $0x3E80  }
0x24: {  	[sflag:s20] =	ssyncset.done $0x0  }
0x25: {  	[sflag:s20] =	ssyncadd.s32 $0xFFFFC180  }
0x26: {  	[spmem:s13] =	stream.linear.scatter [tilespmem:s19], [sflag:$0x9], $0x3E80, $0x38;
	[tilespmem:$0x1FA40] =	vst v63  }
0x27: {  	_ =	swait.ge [sflag:s20], $0x3E80  }
0x28: {  	[sflag:s20] =	ssyncset.done $0x0  }
0x29: {  	[sflag:s20] =	ssyncadd.s32 $0xFFFFC180  }
0x2a: {  	[tilespmem:s19], [sflag:$0x9] =	stream.linear.gather [hbm4b:s14+s3], $0x3E80, $0x38;
	[tilespmem:$0x1FA40] =	vst v63  }
0x2b: {  	_ =	swait.ge [sflag:s20], $0x3E80  }
0x2c: {  	[sflag:s20] =	ssyncset.done $0x0  }
0x2d: {  	[sflag:s20] =	ssyncadd.s32 $0xFFFFC180  }
0x2e: {  	[spmem:s15] =	stream.linear.scatter [tilespmem:s19], [sflag:$0x9], $0x3E80, $0x38;
	[tilespmem:$0x1FA40] =	vst v63  }
0x2f: {  	_ =	swait.ge [sflag:s20], $0x3E80  }
0x30: {  	[sflag:s20] =	ssyncset.done $0x0  }
0x31: {  	[sflag:s20] =	ssyncadd.s32 $0xFFFFC180  }
0x32: {  	[tilespmem:s19], [sflag:$0x9] =	stream.linear.gather [hbm4b:s16+s3], $0x3E80, $0x38;
	[tilespmem:$0x1FA40] =	vst v63  }
0x33: {  	_ =	swait.ge [sflag:s20], $0x3E80  }
0x34: {  	[sflag:s20] =	ssyncset.done $0x0  }
0x35: {  	[sflag:s20] =	ssyncadd.s32 $0xFFFFC180  }
0x36: {  	[spmem:s17] =	stream.linear.scatter [tilespmem:s19], [sflag:$0x9], $0x3E80, $0x38;
	[tilespmem:$0x1FA40] =	vst v63  }
0x37: {  	_ =	swait.ge [sflag:s20], $0x3E80  }
0x38: {  	[sflag:s20] =	ssyncset.done $0x0  }
0x39: {  	[sflag:s20] =	ssyncadd.s32 $0xFFFFC180  }
0x3a: {  	[bflag:$0x0] =	sbarrier.arrive $0xFFFF  }
0x3b: {  	s6 =	rddreg [dreg:$0x5]  }
0x3c: {  	[tilespmem:s21], [sflag:$0x9] =	stream.linear.gather [hbm4b:s6+s3], $0x640, $0x38;
	[tilespmem:$0x1FA40] =	vst v63  }
0x3d: {  	_ =	swait.ge [sflag:s20], $0x640  }
0x3e: {  	[sflag:s20] =	ssyncset.done $0x0  }
0x3f: {  	[sflag:s20] =	ssyncadd.s32 $0xFFFFF9C0  }
0x40: {  	[tilespmem:s19], [sflag:$0x1] =	stream.indirect.gather [spmem:s2], $0x3E8, s21, s22, $0xb8;
	[tilespmem:$0x1FA40] =	vst v63  }
0x41: {  	s7 =	simm.s32 $0xFA10  }
0x42: {  	[tilespmem:s24], [sflag:$0x2] =	stream.indirect.gather [spmem:s2], $0x3E8, s7, s22, $0xb8;
	[tilespmem:$0x1FA40] =	vst v63  }
0x43: {  	s8 =	simm.s32 $0xFA20  }
0x44: {  	[tilespmem:s26], [sflag:$0x3] =	stream.indirect.gather [spmem:s2], $0x3E8, s8, s22, $0xb8;
	[tilespmem:$0x1FA40] =	vst v63  }
0x45: {  	s9 =	simm.s32 $0xFA30  }
0x46: {  	[tilespmem:s29], [sflag:$0x4] =	stream.indirect.gather [spmem:s2], $0x3E8, s9, s22, $0xb8;
	[tilespmem:$0x1FA40] =	vst v63  }
0x47: {  	_ =	swait.ge [sflag:s30], $0x3E80  }
0x48: {  	[sflag:s30] =	ssyncset.done $0x0  }
0x49: {  	s7 =	sadd.s32 $0xFFFFE890, s18;
	[sflag:s30] =	ssyncadd.s32 $0xFFFFC180  }
0x4a: {  	[hbm4b:s7+s3] =	stream.linear.scatter [tilespmem:s19], [sflag:$0x5], $0x3E80, $0x38;
	[tilespmem:$0x1FA40] =	vst v63  }
0x4b: {  	_ =	swait.ge [sflag:s31], $0x3E80  }
0x4c: {  	[sflag:s31] =	ssyncset.done $0x0  }
0x4d: {  	s8 =	sadd.s32 $0xFFFFF060, s18;
	[sflag:s31] =	ssyncadd.s32 $0xFFFFC180  }
0x4e: {  	[hbm4b:s8+s3] =	stream.linear.scatter [tilespmem:s24], [sflag:$0x6], $0x3E80, $0x38;
	[tilespmem:$0x1FA40] =	vst v63  }
0x4f: {  	_ =	swait.ge [sflag:s1], $0x3E80  }
0x50: {  	[sflag:s1] =	ssyncset.done $0x0  }
0x51: {  	s9 =	sadd.s32 $0xFFFFF830, s18;
	[sflag:s1] =	ssyncadd.s32 $0xFFFFC180  }
0x52: {  	[hbm4b:s9+s3] =	stream.linear.scatter [tilespmem:s26], [sflag:$0x7], $0x3E80, $0x38;
	[tilespmem:$0x1FA40] =	vst v63  }
0x53: {  	_ =	swait.ge [sflag:s0], $0x3E80  }
0x54: {  	[sflag:s0] =	ssyncset.done $0x0  }
0x55: {  	[sflag:s0] =	ssyncadd.s32 $0xFFFFC180  }
0x56: {  	[hbm4b:s18+s3] =	stream.linear.scatter [tilespmem:s29], [sflag:$0x8], $0x3E80, $0x38;
	[tilespmem:$0x1FA40] =	vst v63  }
0x57: {  	_ =	swait.ge [sflag:s23], $0x3E80  }
0x58: {  	[sflag:s23] =	ssyncset.done $0x0  }
0x59: {  	s7 =	simm.s32 $0xFA40;
	[sflag:s23] =	ssyncadd.s32 $0xFFFFC180  }
0x5a: {  	[tilespmem:s19], [sflag:$0x1] =	stream.indirect.gather [spmem:s2], $0x3E8, s7, s22, $0xb8;
	[tilespmem:$0x1FA40] =	vst v63  }
0x5b: {  	_ =	swait.ge [sflag:s25], $0x3E80  }
0x5c: {  	[sflag:s25] =	ssyncset.done $0x0  }
0x5d: {  	s8 =	simm.s32 $0xFA50;
	[sflag:s25] =	ssyncadd.s32 $0xFFFFC180  }
0x5e: {  	[tilespmem:s24], [sflag:$0x2] =	stream.indirect.gather [spmem:s2], $0x3E8, s8, s22, $0xb8;
	[tilespmem:$0x1FA40] =	vst v63  }
0x5f: {  	_ =	swait.ge [sflag:s28], $0x3E80  }
0x60: {  	[sflag:s28] =	ssyncset.done $0x0  }
0x61: {  	s9 =	simm.s32 $0xFA60;
	[sflag:s28] =	ssyncadd.s32 $0xFFFFC180  }
0x62: {  	[tilespmem:s26], [sflag:$0x3] =	stream.indirect.gather [spmem:s2], $0x3E8, s9, s22, $0xb8;
	[tilespmem:$0x1FA40] =	vst v63  }
0x63: {  	_ =	swait.ge [sflag:s4], $0x3E80  }
0x64: {  	s6 =	simm.s32 $0x100;
	[sflag:s4] =	ssyncset.done $0x0  }
0x65: {  	s7 =	sadd.s32 $0x1F40, s18;
	s8 =	simm.s32 $0xFA70;
	[sflag:s4] =	ssyncadd.s32 $0xFFFFC180  }
.LBB2_2:
0x66: {  	[tilespmem:s29], [sflag:$0x4] =	stream.indirect.gather [spmem:s2], $0x3E8, s8, s22, $0xb8;
	[tilespmem:$0x1FA40] =	vst v63  }
0x67: {  	s8 =	smov.u32 s6  }
0x68: {  	p0 =	sne.s32 s6, $0x1700;
	s6 =	sadd.s32 $0x100, s6;
	_ =	swait.ge [sflag:s30], $0x3E80  }
0x69: {  	[sflag:s30] =	ssyncset.done $0x0  }
0x6a: {  	s9 =	sadd.s32 $0xFFFFE890, s7;
	[sflag:s30] =	ssyncadd.s32 $0xFFFFC180  }
0x6b: {  	[hbm4b:s9+s3] =	stream.linear.scatter [tilespmem:s19], [sflag:$0x5], $0x3E80, $0x38;
	[tilespmem:$0x1FA40] =	vst v63  }
0x6c: {  	_ =	swait.ge [sflag:s31], $0x3E80  }
0x6d: {  	[sflag:s31] =	ssyncset.done $0x0  }
0x6e: {  	s9 =	sadd.s32 $0xFFFFF060, s7;
	[sflag:s31] =	ssyncadd.s32 $0xFFFFC180  }
0x6f: {  	[hbm4b:s9+s3] =	stream.linear.scatter [tilespmem:s24], [sflag:$0x6], $0x3E80, $0x38;
	[tilespmem:$0x1FA40] =	vst v63  }
0x70: {  	_ =	swait.ge [sflag:s1], $0x3E80  }
0x71: {  	[sflag:s1] =	ssyncset.done $0x0  }
0x72: {  	s9 =	sadd.s32 $0xFFFFF830, s7;
	[sflag:s1] =	ssyncadd.s32 $0xFFFFC180  }
0x73: {  	[hbm4b:s9+s3] =	stream.linear.scatter [tilespmem:s26], [sflag:$0x7], $0x3E80, $0x38;
	[tilespmem:$0x1FA40] =	vst v63  }
0x74: {  	_ =	swait.ge [sflag:s0], $0x3E80  }
0x75: {  	[sflag:s0] =	ssyncset.done $0x0  }
0x76: {  	[sflag:s0] =	ssyncadd.s32 $0xFFFFC180  }
0x77: {  	[hbm4b:s7+s3] =	stream.linear.scatter [tilespmem:s29], [sflag:$0x8], $0x3E80, $0x38;
	[tilespmem:$0x1FA40] =	vst v63  }
0x78: {  	_ =	swait.ge [sflag:s23], $0x3E80  }
0x79: {  	s8 =	sshra.s32 s8, $0x2;
	[sflag:s23] =	ssyncset.done $0x0  }
0x7a: {  	s9 =	sadd.s32 $0xFA40, s8;
	[sflag:s23] =	ssyncadd.s32 $0xFFFFC180  }
0x7b: {  	[tilespmem:s19], [sflag:$0x1] =	stream.indirect.gather [spmem:s2], $0x3E8, s9, s22, $0xb8;
	[tilespmem:$0x1FA40] =	vst v63  }
0x7c: {  	_ =	swait.ge [sflag:s25], $0x3E80  }
0x7d: {  	[sflag:s25] =	ssyncset.done $0x0  }
0x7e: {  	s9 =	sadd.s32 $0xFA50, s8;
	[sflag:s25] =	ssyncadd.s32 $0xFFFFC180  }
0x7f: {  	[tilespmem:s24], [sflag:$0x2] =	stream.indirect.gather [spmem:s2], $0x3E8, s9, s22, $0xb8;
	[tilespmem:$0x1FA40] =	vst v63  }
0x80: {  	_ =	swait.ge [sflag:s28], $0x3E80  }
0x81: {  	[sflag:s28] =	ssyncset.done $0x0  }
.Ltmp0:
0x82: {  	s9 =	sadd.s32 $0xFA60, s8;
	[sflag:s28] =	ssyncadd.s32 $0xFFFFC180;
	(pc) =	sbr.rel @p0 .LBB2_2-.Ltmp0, $4  }
0x83: {  	[tilespmem:s26], [sflag:$0x3] =	stream.indirect.gather [spmem:s2], $0x3E8, s9, s22, $0xb8;
	[tilespmem:$0x1FA40] =	vst v63  }
0x84: {  	_ =	swait.ge [sflag:s4], $0x3E80  }
0x85: {  	[sflag:s4] =	ssyncset.done $0x0  }
0x86: {  	s7 =	sadd.s32 $0x1F40, s7;
	s8 =	sadd.s32 $0xFA70, s8;
	[sflag:s4] =	ssyncadd.s32 $0xFFFFC180  }
0x87: {  	[tilespmem:s29], [sflag:$0x4] =	stream.indirect.gather [spmem:s2], $0x3E8, s8, s22, $0xb8;
	[tilespmem:$0x1FA40] =	vst v63  }
0x88: {  	_ =	swait.ge [sflag:s30], $0x3E80  }
0x89: {  	[sflag:s30] =	ssyncset.done $0x0  }
0x8a: {  	s6 =	rddreg [dreg:$0x6];
	[sflag:s30] =	ssyncadd.s32 $0xFFFFC180  }
0x8b: {  	[hbm4b:s6+s3] =	stream.linear.scatter [tilespmem:s19], [sflag:$0x5], $0x3E80, $0x38;
	[tilespmem:$0x1FA40] =	vst v63  }
0x8c: {  	_ =	swait.ge [sflag:s31], $0x3E80  }
0x8d: {  	[sflag:s31] =	ssyncset.done $0x0  }
0x8e: {  	s9 =	rddreg [dreg:$0x7];
	[sflag:s31] =	ssyncadd.s32 $0xFFFFC180  }
0x8f: {  	[hbm4b:s9+s3] =	stream.linear.scatter [tilespmem:s24], [sflag:$0x6], $0x3E80, $0x38;
	[tilespmem:$0x1FA40] =	vst v63  }
0x90: {  	_ =	swait.ge [sflag:s1], $0x3E80  }
0x91: {  	[sflag:s1] =	ssyncset.done $0x0  }
0x92: {  	s7 =	rddreg [dreg:$0x8];
	[sflag:s1] =	ssyncadd.s32 $0xFFFFC180  }
0x93: {  	[hbm4b:s7+s3] =	stream.linear.scatter [tilespmem:s26], [sflag:$0x7], $0x3E80, $0x38;
	[tilespmem:$0x1FA40] =	vst v63  }
0x94: {  	_ =	swait.ge [sflag:s0], $0x3E80  }
0x95: {  	[sflag:s0] =	ssyncset.done $0x0  }
0x96: {  	s8 =	rddreg [dreg:$0x9];
	[sflag:s0] =	ssyncadd.s32 $0xFFFFC180  }
0x97: {  	[hbm4b:s8+s3] =	stream.linear.scatter [tilespmem:s29], [sflag:$0x8], $0x3E80, $0x38;
	[tilespmem:$0x1FA40] =	vst v63  }
0x98: {  	_ =	swait.ge [sflag:s23], $0x3E80  }
0x99: {  	[sflag:s23] =	ssyncset.done $0x0  }
0x9a: {  	[sflag:s23] =	ssyncadd.s32 $0xFFFFC180  }
0x9b: {  	_ =	swait.ge [sflag:s25], $0x3E80  }
0x9c: {  	[sflag:s25] =	ssyncset.done $0x0  }
0x9d: {  	[sflag:s25] =	ssyncadd.s32 $0xFFFFC180  }
0x9e: {  	_ =	swait.ge [sflag:s28], $0x3E80  }
0x9f: {  	[sflag:s28] =	ssyncset.done $0x0  }
0xa0: {  	[sflag:s28] =	ssyncadd.s32 $0xFFFFC180  }
0xa1: {  	_ =	swait.ge [sflag:s4], $0x3E80  }
0xa2: {  	s5 =	sadd.s32 $0x1, s5;
	s9 =	rddreg [dreg:$0xa]  }
0xa3: {  	p0 =	sne.s32 s5, s9  }
.Ltmp1:
0xa4: {  	_ = 	snop;
	(pc) =	sbr.rel @p0 .LBB2_1-.Ltmp1, $3  }
0xa5: {  	_ =	sdelay $0x1  }
0xa6: {  	[sflag:s4] =	ssyncset.done $0x0  }
0xa7: {  	[sflag:s4] =	ssyncadd.s32 $0xFFFFC180  }
0xa8: {  	_ =	sfence.sel $0x180000  }
0xa9: {  	[bflag:$0x0] =	sbarrier.arrive $0xFFFF  }
0xaa: {  	_ =	strace $0x90000047  }
0xab: {  	s0 =	stileid.u32;
	[bflag:$0x2] =	sbarrier.arrive $0xFFFF  }
0xac: {  	p0 =	sne.s32 s0, $0x0;
	s0 =	rddreg [dreg:$0x4]  }
0xad: {  	s0 =	sadd.s32 @!p0 $0x100000, s0  }
0xae: {  	[sflag:s0] =	ssyncadd.tile.s32 @!p0 $0x1;
	_ =	shalt  }
.Lfunc_end2:
_tile_overlayer_lowered:
.L_overlay_start_2:
0xaf: {  	(tag) =	ssettag $0x2  }
0xb0: {  	s0 =	rddreg [dreg:$0x0];
	s2 =	stileid.u32  }
0xb1: {  	s1 =	rddreg [dreg:$0x1];
	p0 =	sne.s32 s2, $0x0  }
0xb2: {  	s3 =	rddreg [dreg:$0x2];
	[bflag:$0x3] =	sbarrier.arrive $0xFFFF;
	s2 =	simm.s32 @!p0 $0x1C09  }
0xb3: {  	[timem:s3], [sflag:s2] =	dma.local @!p0 [hbm:s0], s1  }
0xb4: {  	s0 =	simm.s32 @!p0 $0x9  }
0xb5: {  	_ =	swait.ge @!p0 [sflag:s0], s1  }
0xb6: {  	s1 =	ssub.s32 @!p0 $0x0, s1;
	[sflag:s0] =	ssyncset.done @!p0 $0x0  }
0xb7: {  	[sflag:s0] =	ssyncadd.s32 @!p0 s1  }
0xb8: {  	[bflag:$0x3] =	sbarrier.arrive $0xFFFF  }
0xb9: {  	_ =	shalt  }

// kernel: sparse-core-data-format-call.cloned.1.call-start
scs
called_computation_lowered:
.L_overlay_start_0:
0x0: {  	s2 =	sld [smem:$0x3FD9]  }
0x1: {  	s3 =	sld [smem:$0x3FFE];
	_ =	sdelay $0x1  }
0x2: {  	s1 =	srdreg.scid  }
0x3: {  	s0 =	sand.u32 $0x1, s1  }
0x4: {  	s18 =	sshll.u32 s0, $0xA;
	s2 =	sadd.s32 s3, s2  }
0x5: {  	s2 =	sadd.s32 s2, s18  }
0x6: {  	[smem:$0x3FC6] =	sst s2  }
0x7: {  	_ = 	snop  }
0x8: {  	s2 =	sld [smem:$0x3FD0];
	(tm) =	ssettm $0x1  }
0x9: {  	s19 =	sld [smem:$0x3FFB];
	_ =	sdelay $0x3  }
0xa: {  	_ =	strace s19  }
0xb: {  	s3 =	sld [smem:$0x3FFC];
	_ =	sdelay $0x3  }
0xc: {  	_ =	strace s3  }
0xd: {  	s3 =	sld [smem:$0x3FFD];
	_ =	sdelay $0x3  }
0xe: {  	_ =	strace s3  }
0xf: {  	_ =	strace $0x8FFFFFFF  }
0x10: {  	s20 =	sld [smem:$0x3FDB];
	_ =	sdelay $0x1  }
0x11: {  	s4 =	simm.s32 $_scs_section_size  }
0x12: {  	s5 =	simm.s32 $_size__tile_overlayer_lowered;
	s6 =	simm.s32 $_tile_overlayer_lowered  }
0x13: {  	s23 =	simm.s32 $0x1BFF;
	s22 =	sshll.u32 s6, $0x1;
	s3 =	sadd.s32 s4, s20  }
0x14: {  	s7 =	simm.s32 $0x0;
	s21 =	sshll.u32 s5, $0x1;
	s5 =	sadd.s32 s22, s3  }
0x15: {  	[timem:s7], [sflag:s23] =	dma.local [hbm:s5], s21  }
0x16: {  	_ =	swait.ge [sflag:s23], s21  }
0x17: {  	s4 =	ssub.s32 $0x0, s21;
	[sflag:s23] =	ssyncset.done $0x0  }
0x18: {  	[sflag:s23] =	ssyncadd.s32 s4;
	_ =	sdelay $0x1  }
0x19: {  	s24 =	simm.s32 $0x1B8B  }
0x1a: {  	_ =	swait.ge [sflag:s24], $0x1  }
0x1b: {  	[sflag:s24] =	ssyncset.done $0x0  }
0x1c: {  	s26 =	simm.s32 $0x1B8E;
	s25 =	sld [smem:$0x3FFE];
	[sflag:s24] =	ssyncadd.s32 $0xFFFFFFFF  }
0x1d: {  	s27 =	simm.s32 $execute0_lowered;
	[smem:$0x3FD2] =	sst s26  }
0x1e: {  	s5 =	sshll.u32 s27, $0x1;
	_ =	strace $0x80000049;
	[dreg:$0x1] =	wrdreg $0xFFFFFFFF  }
0x1f: {  	s28 =	simm.s32 $_size_execute0_lowered;
	s3 =	sadd.s32 s3, s5;
	[dreg:$0x0] =	wrdreg $0x0  }
0x20: {  	s5 =	sshll.u32 s28, $0x1;
	[dreg:$0x2] =	wrdreg s3  }
0x21: {  	[dreg:$0x3] =	wrdreg s5  }
0x22: {  	[dreg:$0x4] =	wrdreg $0xC0  }
0x23: {  	_ =	task [dreg:s7], $0x5FFFF  }
0x24: {  	[dreg:$0x1] =	wrdreg $0xFFFFFFFF  }
0x25: {  	[dreg:$0x0] =	wrdreg $0x60  }
0x26: {  	[dreg:$0x2] =	wrdreg s25  }
0x27: {  	[dreg:$0x3] =	wrdreg s2  }
0x28: {  	[dreg:$0x4] =	wrdreg $0x9  }
0x29: {  	_ =	task.clear_ibuf [dreg:s7], $0x5FFFF;
	_ =	strace $0x90000049  }
0x2a: {  	s29 =	simm.s32 $0x9;
	_ =	strace $0x8000004B  }
0x2b: {  	_ =	swait.ge [sflag:s29], $0x1  }
0x2c: {  	[sflag:s29] =	ssyncadd.s32 $0xFFFFFFFF  }
0x2d: {  	_ =	strace $0x9000004B  }
0x2e: {  	_ =	sfence  }
0x2f: {  	s30 =	sld [smem:$0x0];
	_ =	sdelay $0x2  }
0x30: {  	s31 =	sshll.u32 s1, $0xD;
	s1 =	sshrl.u32 s1, $0x2  }
0x31: {  	s3 =	sand.u32 $0x4000, s31;
	s1 =	sadd.s32 s1, s30  }
0x32: {  	s0 =	sor.u32 s3, s0;
	s1 =	sshll.u32 s1, $0x11  }
0x33: {  	s0 =	sor.u32 s1, s0  }
0x34: {  	s0 =	sadd.s32 $0x8F2B, s0  }
0x35: {  	[sflag:s0] =	ssyncadd.remote.s32 $0x1  }
0x36: {  	_ =	sfence.sel $0xFFFF  }
0x37: {  	[dreg:$0x0] =	wrdreg $0xFFFFFFFF;
	(pc) =	sbr.abs _section_cstart, $3  }
0x38: {  	[dreg:$0x1] =	wrdreg $0xFFFFFFFF  }
0x39: {  	_ =	task.clear_ibuf [dreg:s7], $0x2FFFF;
	_ =	strace $0x9FFFFFFF  }
0x3a: {  	(tm) =	ssettm $0x7FFFFFFF  }
0x3b: {  	_ =	shalt  }
tec
execute0_lowered:
.L_overlay_start_1:
0x0: {  	(tag) =	ssettag $0x1  }
0x1: {  	s4 =	rddreg [dreg:$0x0]  }
0x2: {  	s2 =	rddreg [dreg:$0x1];
	s1 =	stileid.u32  }
0x3: {  	s3 =	srdreg.scid;
	s0 =	rddreg [dreg:$0x2];
	_ =	strace $0x8000004A  }
0x4: {  	s10 =	simm.s32 $0x2;
	s14 =	simm.s32 $0x0;
	s16 =	simm.s32 $0x0  }
0x5: {  	s12 =	simm.s32 $0x0;
	s15 =	simm.s32 $0x0;
	s3 =	sshll.u32 s3, $0x4  }
0x6: {  	s5 =	sshll.u32 s1, $0x7;
	s4 =	sadd.s32 $0x800, s4;
	s6 =	sand.u32 $0x10, s3  }
0x7: {  	s3 =	sand.u32 $0x180, s5;
	s5 =	simm.s32 $0x1;
	s8 =	sor.u32 s1, s6  }
0x8: {  	s31 =	ssub.s32 $0xC800, s3;
	[sflag:s5] =	ssyncpa.u1 $0x0;
	s13 =	smov.u32 s3  }
.Ltmp0:
0x9: {  	s7 =	sshll.u32 s8, $0x5;
	s9 =	sand.u32 $0x180, s31;
	(pc) =	sbr.rel .LBB1_1-.Ltmp0, $4  }
0xa: {  	s11 =	sshrl.u32 s31, $0x9;
	p0 =	sne.s32 s9, $0x0;
	s9 =	simm.s32 $0x1  }
0xb: {  	[sflag:s10] =	ssyncpa.u1 $0x0;
	s8 =	sshll.u32 s8, $0x8;
	s9 =	simm.s32 @!p0 $0x0  }
0xc: {  	s10 =	simm.s32 $0x64000;
	s6 =	sand.u32 $0x380, s7;
	s7 =	sadd.s32 s9, s11  }
0xd: {  	p0 =	por $0x0, $0x0;
	s11 =	simm.s32 $0x0;
	s9 =	sadd.s32 $0x1, s7  }
.LBB1_4:
0xe: {  	s22 =	sshrl.u32 s11, $0x3  }
0xf: {  	s23 =	sshll.u32 s12, $0x3;
	s24 =	sand.u32 $0x7F, s12;
	s22 =	smul.u32 $0x64000, s22  }
0x10: {  	v5 =	vld [tilespmem:s18+$0xFFFFFFD0];
	s21 =	sshra.s32 s21, $0x2;
	s25 =	sshra.s32 s12, $0x1F;
	s23 =	sand.u32 $0xFFFFFC00, s23  }
0x11: {  	[tilespmem:s20+$0x2040 ss:$0x81] =	vst.msk $0xffff, v4;
	v58 =	vld [tilespmem:s18+$0xFFFFFFE0];
	p1 =	sgt.s32 s12, $0xC780;
	s25 =	sand.u32 s25, s12;
	s22 =	sadd.s32 s23, s22  }
0x12: {  	[tilespmem:s20+$0x2850 ss:$0x81] =	vst.msk $0xffff, v3;
	v59 =	vld [tilespmem:s18+$0xFFFFFFF0];
	s23 =	sor.u32 s24, s22;
	s22 =	smulhi.u32 $0x51EB851F, s22;
	s24 =	smov.u32 s12  }
0x13: {  	[tilespmem:s20+$0x3060 ss:$0x81] =	vst.msk $0xffff, v2;
	v60 =	vld [tilespmem:s18+$0x0];
	s19 =	sadd.s32 s21, s19;
	s26 =	smulhi.u32 $0x51EB851F, s23;
	s24 =	simm.s32 @!p1 $0xC780  }
0x14: {  	[tilespmem:s20+$0x0 ss:$0x81] =	vst.msk $0xffff, v0;
	v61 =	vld [tilespmem:s18+$0x10];
	p1 =	sgt.s32 s11, $0x368;
	s28 =	sshrl.u32 s22, $0xE;
	s29 =	ssub.s32 s24, s25  }
0x15: {  	[tilespmem:s19+$0x3870 ss:$0x81] =	vst.msk $0xffff, v1;
	s30 =	sshrl.u32 s26, $0xE;
	s31 =	smulhi.u32 $0x418938, s28;
	s25 =	sadd.s32 $0xFFFF3880, s29  }
0x16: {  	v62 =	vld [tilespmem:s18+$0x20];
	[tilespmem:s19+$0x810 ss:$0x81] =	vst.msk $0xffff, v5;
	s22 =	smul.u32 $0xC800, s30;
	p2 =	sgt.s32 s25, $0x7F;
	s25 =	smov.u32 s11  }
0x17: {  	v63 =	vld [tilespmem:s18+$0xFFFFFFC0];
	[tilespmem:s19+$0x1020 ss:$0x81] =	vst.msk $0xffff, v58;
	s21 =	ssub.s32 $0xC800, s29;
	s25 =	simm.s32 @!p1 $0x368;
	s26 =	smul.u32 $0x3E8, s31  }
0x18: {  	[tilespmem:s19+$0x1830 ss:$0x81] =	vst.msk $0xffff, v59;
	s21 =	simm.s32 @p2 $0x0;
	s27 =	ssub.s32 $0x3E8, s25  }
0x19: {  	[tilespmem:s19+$0x2040 ss:$0x81] =	vst.msk $0xffff, v60;
	s22 =	ssub.s32 s23, s22;
	s18 =	ssub.s32 s28, s26;
	s28 =	smul.u32 s27, s21  }
0x1a: {  	[tilespmem:s19+$0x2850 ss:$0x81] =	vst.msk $0xffff, v61;
	s29 =	sshrl.u32 s22, $0x3;
	s22 =	sand.u32 $0x7, s22;
	s18 =	smul.u32 $0x1900, s18  }
0x1b: {  	[tilespmem:s19+$0x3060 ss:$0x81] =	vst.msk $0xffff, v62;
	s21 =	sadd.s32 s2, s29;
	s22 =	sshll.u32 s22, $0x12  }
0x1c: {  	[tilespmem:s19+$0x0 ss:$0x81] =	vst.msk $0xffff, v63;
	s30 =	sand.u32 $0x3FFFFFF8, s28;
	s31 =	sor.u32 $0x400, s22;
	s18 =	sadd.s32 s18, s21  }
0x1d: {  	[hbm4b:s18+s31] =	stream.strided.scatter [tilespmem:s17], [sflag:$0x2], s30, s10, s31, $0x20;
	[tilespmem:$0x10100] =	vst v63  }
.LBB1_5:
0x1e: {  	p1 =	slt.u32 s15, $0x2  }
0x1f: {  	p2 =	sgt.s32 @!p1 s16, $0xC780  }
0x20: {  	s17 =	smov.u32 s16;
	s18 =	sshra.s32 @!p1 s16, $0x1F;
	p2 =	por !p2, p1  }
0x21: {  	s16 =	sand.u32 @!p1 s18, s16;
	s17 =	simm.s32 @p2 $0xC780  }
0x22: {  	s16 =	ssub.s32 @!p1 s17, s16  }
0x23: {  	p2 =	sgt.s32 @!p1 s14, $0x368;
	s17 =	sadd.s32 @!p1 $0xFFFF3880, s16  }
0x24: {  	s18 =	sadd.s32 $0x200, s13;
	p2 =	por !p2, p1;
	p3 =	sgt.s32 @!p1 s17, $0x7F  }
0x25: {  	s14 =	simm.s32 @p2 $0x368;
	s16 =	ssub.s32 @!p1 $0xC800, s16;
	p2 =	por !p3, p1  }
0x26: {  	s14 =	ssub.s32 @!p1 $0x3E8, s14;
	s16 =	simm.s32 @!p2 $0x0;
	p2 =	sgt.s32 s18, $0xC7FF  }
0x27: {  	s14 =	smul.u32 @!p1 s14, s16;
	s18 =	smov.u32 @p2 s3;
	p2 =	sne.s32 s15, s9  }
.Ltmp1:
0x28: {  	s20 =	sadd.s32 $0x1, s15;
	p0 =	por !p0, !p0;
	(pc) =	sbr.rel @!p2 .LBB1_6-.Ltmp1, $4  }
0x29: {  	s17 =	simm.s32 @!p1 $0x2;
	s16 =	smov.u32 s12;
	s14 =	sand.u32 @!p1 $0x3FFFFFFF, s14  }
0x2a: {  	s12 =	smov.u32 s13;
	s15 =	smov.u32 s20;
	_ =	swait.ge @!p1 [sflag:s17], s14  }
0x2b: {  	s13 =	smov.u32 s18;
	s19 =	ssub.s32 @!p1 $0x0, s14;
	[sflag:s17] =	ssyncset.done @!p1 $0x0  }
0x2c: {  	s14 =	smov.u32 s11;
	s11 =	smov.u32 s6;
	[sflag:s17] =	ssyncadd.s32 @!p1 s19  }
.LBB1_1:
0x2d: {  	p1 =	sge.u32 s15, s7  }
0x2e: {  	s17 =	sshll.u32 @!p1 s13, $0xA  }
0x2f: {  	s17 =	sand.u32 @!p1 $0xFFFFE000, s17  }
0x30: {  	s17 =	sor.u32 @!p1 s8, s17  }
0x31: {  	s17 =	sshrl.u32 @!p1 s17, $0xA  }
0x32: {  	s18 =	smulhi.u32 @!p1 $0x28F5C3, s17;
	_ =	sdelay $0x1  }
0x33: {  	s18 =	sshrl.u32 @!p1 s18, $0x5  }
0x34: {  	s18 =	smul.u32 @!p1 $0xC800, s18  }
0x35: {  	s31 =	sadd.s32 $0xFFFFFFFF, s15;
	s19 =	sxor.u32 @!p1 $0xFFFFFFFF, s15;
	s20 =	sshll.u32 @!p1 s13, $0x4  }
0x36: {  	s19 =	sshll.u32 @!p1 s19, $0xE;
	s17 =	ssub.s32 @!p1 s17, s18;
	s18 =	sand.u32 @!p1 $0x70, s20  }
0x37: {  	s19 =	sand.u32 @!p1 $0x4000, s19;
	s17 =	sshll.u32 @!p1 s17, $0x7;
	s18 =	sadd.s32 @!p1 s4, s18  }
0x38: {  	s20 =	simm.s32 @!p1 $0x2000;
	s17 =	sadd.s32 @!p1 s17, s18;
	s18 =	simm.s32 @!p1 $0x400  }
0x39: {  	[tilespmem:s19], [sflag:$0x1] =	stream.strided.gather @!p1 [hbm4b:s17+s18], $0x4000, s20, s18, $0x38;
	[tilespmem:$0x10100] =	vst v63  }
0x3a: {  	p1 =	sge.u32 s31, s7  }
.Ltmp2:
0x3b: {  	_ = 	snop;
	(pc) =	sbr.rel @p1 .LBB1_5-.Ltmp2, $1  }
0x3c: {  	_ =	sdelay $0x3  }
0x3d: {  	s17 =	simm.s32 $0x1  }
0x3e: {  	_ =	swait.ge [sflag:s5], $0x4000;
	s17 =	simm.s32 @!p0 $0x0  }
0x3f: {  	[sflag:s5] =	ssyncset.done $0x0;
	s18 =	sshll.u32 s17, $0xE  }
0x40: {  	[sflag:s5] =	ssyncadd.s32 $0xFFFFC000;
	s18 =	sor.u32 $0x40, s18  }
0x41: {  	s17 =	smul.u32 $0x10200, s17;
	v0 =	vld [tilespmem:s18+$0x30]  }
0x42: {  	v1 =	vld [tilespmem:s18+$0xFFFFFFD0]  }
0x43: {  	s17 =	sshrl.u32 s17, $0x2;
	v5 =	vld [tilespmem:s18+$0xFFFFFFE0]  }
0x44: {  	v6 =	vld [tilespmem:s18+$0xFFFFFFF0];
	s19 =	sor.u32 $0x8000, s17  }
0x45: {  	s31 =	sand.u32 $0x1, s15;
	v4 =	vld [tilespmem:s18+$0x0];
	s20 =	sadd.s32 $0x0, s19  }
0x46: {  	v3 =	vld [tilespmem:s18+$0x10];
	s17 =	smul.u32 $0x10200, s31;
	[tilespmem:s20+$0x3870 ss:$0x81] =	vst.msk $0xffff, v0  }
0x47: {  	v2 =	vld [tilespmem:s18+$0x20];
	[tilespmem:s20+$0x810 ss:$0x81] =	vst.msk $0xffff, v1  }
0x48: {  	s17 =	sshrl.u32 s17, $0x2;
	v0 =	vld [tilespmem:s18+$0xFFFFFFC0];
	[tilespmem:s20+$0x1020 ss:$0x81] =	vst.msk $0xffff, v5;
	s18 =	sadd.s32 $0x80, s18  }
0x49: {  	s21 =	simm.s32 $0x4;
	s22 =	simm.s32 $0x8;
	s17 =	sor.u32 $0x8000, s17;
	[tilespmem:s20+$0x1830 ss:$0x81] =	vst.msk $0xffff, v6;
	v1 =	vld [tilespmem:s18+$0x30]  }
.LBB1_3:
0x4a: {  	p1 =	sne.s32 s22, $0x1FC;
	v5 =	vld [tilespmem:s18+$0xFFFFFFD0];
	[tilespmem:s20+$0x2040 ss:$0x81] =	vst.msk $0xffff, v4  }
0x4b: {  	v6 =	vld [tilespmem:s18+$0xFFFFFFE0];
	[tilespmem:s20+$0x2850 ss:$0x81] =	vst.msk $0xffff, v3  }
0x4c: {  	s23 =	sshra.s32 s21, $0x2;
	s21 =	smov.u32 s22;
	v7 =	vld [tilespmem:s18+$0xFFFFFFF0];
	[tilespmem:s20+$0x3060 ss:$0x81] =	vst.msk $0xffff, v2  }
.Ltmp3:
0x4d: {  	v4 =	vld [tilespmem:s18+$0x0];
	[tilespmem:s20+$0x0 ss:$0x81] =	vst.msk $0xffff, v0;
	s20 =	sadd.s32 s23, s19;
	(pc) =	sbr.rel @p1 .LBB1_3-.Ltmp3, $4  }
0x4e: {  	v3 =	vld [tilespmem:s18+$0x10];
	[tilespmem:s20+$0x3870 ss:$0x81] =	vst.msk $0xffff, v1  }
0x4f: {  	[tilespmem:s20+$0x810 ss:$0x81] =	vst.msk $0xffff, v5;
	v2 =	vld [tilespmem:s18+$0x20]  }
0x50: {  	v0 =	vld [tilespmem:s18+$0xFFFFFFC0];
	[tilespmem:s20+$0x1020 ss:$0x81] =	vst.msk $0xffff, v6;
	s18 =	sadd.s32 $0x80, s18  }
0x51: {  	s22 =	sadd.s32 $0x4, s22;
	v1 =	vld [tilespmem:s18+$0x30];
	[tilespmem:s20+$0x1830 ss:$0x81] =	vst.msk $0xffff, v7  }
.Ltmp4:
0x52: {  	_ = 	snop;
	(pc) =	sbr.rel .LBB1_4-.Ltmp4, $1  }
0x53: {  	_ =	sdelay $0x3  }
.LBB1_6:
0x54: {  	_ =	sfence.sel $0x180000  }
0x55: {  	s2 =	simm.s32 $0x1;
	[bflag:$0x0] =	sbarrier.arrive $0xFFFF  }
0x56: {  	s31 =	simm.s32 $0x2;
	[sflag:s2] =	ssyncpa.u1 $0x1  }
0x57: {  	[sflag:s31] =	ssyncpa.u1 $0x1  }
0x58: {  	p0 =	sne.s32 s1, $0x0;
	_ =	strace $0x9000004A  }
0x59: {  	s0 =	sadd.s32 @!p0 $0x100000, s0;
	[bflag:$0x2] =	sbarrier.arrive $0xFFFF  }
0x5a: {  	[sflag:s0] =	ssyncadd.tile.s32 @!p0 $0x1;
	_ =	shalt  }
.Lfunc_end1:
_tile_overlayer_lowered:
.L_overlay_start_2:
0x5b: {  	(tag) =	ssettag $0x2  }
0x5c: {  	s0 =	rddreg [dreg:$0x0];
	s2 =	stileid.u32  }
0x5d: {  	s1 =	rddreg [dreg:$0x1];
	p0 =	sne.s32 s2, $0x0  }
0x5e: {  	s3 =	rddreg [dreg:$0x2];
	[bflag:$0x3] =	sbarrier.arrive $0xFFFF;
	s2 =	simm.s32 @!p0 $0x1C01  }
0x5f: {  	[timem:s3], [sflag:s2] =	dma.local @!p0 [hbm:s0], s1  }
0x60: {  	s0 =	simm.s32 @!p0 $0x1  }
0x61: {  	_ =	swait.ge @!p0 [sflag:s0], s1  }
0x62: {  	s1 =	ssub.s32 @!p0 $0x0, s1;
	[sflag:s0] =	ssyncset.done @!p0 $0x0  }
0x63: {  	[sflag:s0] =	ssyncadd.s32 @!p0 s1  }
0x64: {  	[bflag:$0x3] =	sbarrier.arrive $0xFFFF  }
0x65: {  	_ =	shalt  }

</sc_bundles>
